<compile_context>
chip_gen: v7x
topology: tpu7x:2x2x1
jax: 0.10.2.dev20260603
libtpu: 0.0.44.dev20260713+nightly
codegen_flags: <defaults>
</compile_context>

<pallas_src>
import dataclasses
import functools

import jax
import jax.numpy as jnp
from jax import lax
from jax.experimental import pallas as pl
from jax.experimental.pallas import tpu as pltpu
from jax.experimental.pallas import tpu_sc as plsc

_NC = 2
_NS = 16
_NW = _NC * _NS
_L = 16
_G = 128
_GPC = 3
_W = _G * _GPC


def _take16(c, idx):
    dnums = lax.GatherDimensionNumbers(
        offset_dims=(), collapsed_slice_dims=(0,), start_index_map=(0,))
    return lax.gather(c, idx[:, None], dnums, slice_sizes=(1,),
                      mode=lax.GatherScatterMode.PROMISE_IN_BOUNDS)


def _sc_kernel_body(node_hbm, row_hbm, col_hbm, out_hbm,
                    ntab, idx_a0, idx_a1, idx_b0, idx_b1,
                    arows0, arows1, brows0, brows1, out_v0, out_v1,
                    sem_i0, sem_i1, sem_g0, sem_g1, sem_h0, sem_h1,
                    sem_o0, sem_o1):
    n_chunks = row_hbm.shape[0] // (_NW * _W)
    sid = lax.axis_index("s")
    wid = sid * _NC + lax.axis_index("c")
    base_e = wid * n_chunks * _W

    n_nodes = node_hbm.shape[0]
    rows_per_tile = n_nodes // _NS
    pltpu.sync_copy(node_hbm.at[pl.ds(sid * rows_per_tile, rows_per_tile)],
                    ntab.at[pl.ds(sid * rows_per_tile, rows_per_tile)])
    plsc.subcore_barrier()

    idx_a = (idx_a0, idx_a1)
    idx_b = (idx_b0, idx_b1)
    arows = (arows0, arows1)
    brows = (brows0, brows1)
    out_v = (out_v0, out_v1)
    sem_i = (sem_i0, sem_i1)
    sem_g = (sem_g0, sem_g1)
    sem_h = (sem_h0, sem_h1)
    sem_o = (sem_o0, sem_o1)

    lane = lax.iota(jnp.int32, _L)
    sstart = ((lane >= 1).astype(jnp.int32) + 3 * (lane >= 4).astype(jnp.int32)
              + 5 * (lane >= 9).astype(jnp.int32))
    i1 = jnp.maximum(lane - 1, 0)
    i2 = jnp.maximum(lane - 2, 0)
    i4 = jnp.maximum(lane - 4, 0)
    m1 = (lane - 1) >= sstart
    m2 = (lane - 2) >= sstart
    m4 = (lane - 4) >= sstart
    q = lane & 3
    fin = q * q + 2 * q
    grp = lane >> 2
    fzero = jnp.float32(0.0)

    def start_idx(k, b):
        e0 = base_e + k * _W
        pltpu.async_copy(row_hbm.at[pl.ds(e0, _W)], idx_a[b], sem_i[b])
        pltpu.async_copy(col_hbm.at[pl.ds(e0, _W)], idx_b[b], sem_i[b])

    def drain_idx(b):
        pltpu.make_async_copy(row_hbm.at[pl.ds(0, _W)], idx_a[b],
                              sem_i[b]).wait()
        pltpu.make_async_copy(col_hbm.at[pl.ds(0, _W)], idx_b[b],
                              sem_i[b]).wait()

    def start_gathers(b):
        for j in range(_GPC):
            pltpu.async_copy(
                ntab.at[idx_a[b].at[pl.ds(j * _G, _G)]],
                arows[b].at[pl.ds(j * _G, _G)], sem_g[b])
            pltpu.async_copy(
                node_hbm.at[idx_b[b].at[pl.ds(j * _G, _G)]],
                brows[b].at[pl.ds(j * _G, _G)], sem_h[b])

    def drain_gathers(b):
        pltpu.make_async_copy(ntab.at[pl.ds(0, _W)], arows[b],
                              sem_g[b]).wait()
        pltpu.make_async_copy(node_hbm.at[pl.ds(0, _W)], brows[b],
                              sem_h[b]).wait()

    def start_out(k, b):
        e0 = base_e + k * _W
        pltpu.async_copy(out_v[b], out_hbm.at[pl.ds(e0 * 4, _W * 4)],
                         sem_o[b])

    def drain_out(b):
        pltpu.make_async_copy(out_v[b], out_hbm.at[pl.ds(0, _W * 4)],
                              sem_o[b]).wait()

    def seg_sums(t):
        x = t + jnp.where(m1, _take16(t, i1), fzero)
        x = x + jnp.where(m2, _take16(x, i2), fzero)
        x = x + jnp.where(m4, _take16(x, i4), fzero)
        return _take16(x, fin)

    def compute(b):
        @plsc.parallel_loop(0, _W, step=4, unroll=2)
        def _edge(e):
            g = [seg_sums(arows[b][e + u, :] * brows[b][e + u, :])
                 for u in range(4)]
            acc = jnp.where(grp == 1, g[1], g[0])
            acc = jnp.where(grp == 2, g[2], acc)
            acc = jnp.where(grp == 3, g[3], acc)
            out_v[b][pl.ds(e * 4, _L)] = acc

    start_idx(0, 0)
    start_idx(1, 1)
    drain_idx(0)
    start_gathers(0)

    @pl.loop(0, n_chunks, step=2)
    def _pair(kk):
        for b in (0, 1):
            k = kk + b
            ob = 1 - b
            drain_gathers(b)

            @pl.when(k + 2 < n_chunks)
            def _():
                start_idx(k + 2, b)

            @pl.when(k + 1 < n_chunks)
            def _():
                drain_idx(ob)
                start_gathers(ob)

            @pl.when(k >= 2)
            def _():
                drain_out(b)

            compute(b)
            start_out(k, b)

    drain_out(0)
    drain_out(1)


@functools.partial(jax.jit, static_argnames=("e_pad",))
def _sc_call(node_sh, row2, col2, e_pad):
    mesh = plsc.VectorSubcoreMesh(core_axis_name="c", subcore_axis_name="s")
    cp = pltpu.CompilerParams()
    if "needs_layout_passes" in pltpu.CompilerParams.__dataclass_fields__:
        cp = dataclasses.replace(cp, needs_layout_passes=False)
    if "use_tc_tiling_on_sc" in pltpu.CompilerParams.__dataclass_fields__:
        cp = dataclasses.replace(cp, use_tc_tiling_on_sc=False)
    kfn = pl.kernel(
        _sc_kernel_body,
        out_type=jax.ShapeDtypeStruct((e_pad * 4,), jnp.float32),
        mesh=mesh,
        scratch_types=(
            [pltpu.VMEM_SHARED(node_sh.shape, jnp.float32)]
            + [pltpu.VMEM((_W,), jnp.int32)] * 4
            + [pltpu.VMEM((_W, _L), jnp.float32)] * 4
            + [pltpu.VMEM((_W * 4,), jnp.float32)] * 2
            + [pltpu.SemaphoreType.DMA] * 8
        ),
        compiler_params=cp,
    )
    return kfn(node_sh, row2, col2)


def kernel(edge_index, node_sh):
    e = edge_index.shape[1]
    per_tile = -(-e // (_NW * _W * 2)) * _W * 2
    e_pad = per_tile * _NW
    ei = edge_index.astype(jnp.int32)
    row = jnp.pad(ei[0], (0, e_pad - e))
    col = jnp.pad(ei[1], (0, e_pad - e))
    out = _sc_call(node_sh, row, col, e_pad)
    return out[:e * 4].reshape(e, 4)

# --- scband reference (transcript-rebuilt; emitter-appended) ---
"""Pipeline reference for scband-sh-msg-27384711479756 (READ-ONLY COPY).

The authoritative reference and input builder live on the scoring server;
editing this copy changes nothing except your own understanding.
"""

import jax, jax.numpy as jnp
import numpy as np

# sh_irreps = "1x0e+1x1o+1x2e+1x3o": one multiplicity per degree l in {0,1,2,3}
# per-irrep dims: 2l+1 -> [1, 3, 5, 7]; total dim = 16; lmax = 3
_IRREP_LS = [0, 1, 2, 3]
_IRREP_DIMS = [1, 3, 5, 7]
_LMAX = 3


def setup_inputs(seed: int = 0) -> dict:
    key = jax.random.key(seed)
    k1, k2 = jax.random.split(key)
    n_nodes = 100000
    n_edges = 3200000
    sh_dim = sum(_IRREP_DIMS)  # 16
    edge_index = jax.random.randint(k1, (2, n_edges), 0, n_nodes, dtype=jnp.int64)
    node_sh = jax.random.normal(k2, (n_nodes, sh_dim), dtype=jnp.float32)
    return {"edge_index": edge_index, "node_sh": node_sh}


def reference(edge_index, node_sh):
    assert node_sh.shape[1] == sum(_IRREP_DIMS)
    row = edge_index[0]
    col = edge_index[1]
    # gather endpoint features and compute elementwise product
    temp = jnp.take(node_sh, row, axis=0) * jnp.take(node_sh, col, axis=0)
    # per-degree inner products (scalarization): sum over each irrep's 2l+1 components
    cols = []
    idx = 0
    for l, d in zip(_IRREP_LS, _IRREP_DIMS):
        cols.append(jnp.sum(temp[:, idx:idx + d], axis=-1).astype(node_sh.dtype))
        idx += d
    # output (E, lmax+1); with mul=1 per degree, column l holds that degree's inner product
    ip = jnp.stack(cols, axis=-1)
    return ip

if __name__ == "__main__":
    import jax
    _d = setup_inputs()
    print(jax.jit(kernel)(*tuple(_d.values())))

</pallas_src>

<mosaic_0001>
#map = affine_map<(d0, d1) -> (0, 0)>
#map1 = affine_map<(d0, d1) -> (0)>
module attributes {stable_mosaic.version = 14 : i64} {
  func.func @_sc_kernel_body(%arg0: i32, %arg1: i32, %arg2: memref<100000x16xf32, #tpu.memory_space<hbm>>, %arg3: memref<3219456xi32, #tpu.memory_space<hbm>>, %arg4: memref<3219456xi32, #tpu.memory_space<hbm>>, %arg5: memref<12877824xf32, #tpu.memory_space<hbm>>, %arg6: memref<100000x16xf32, #tpu.memory_space<vmem_shared>>, %arg7: memref<384xi32, #tpu.memory_space<vmem>>, %arg8: memref<384xi32, #tpu.memory_space<vmem>>, %arg9: memref<384xi32, #tpu.memory_space<vmem>>, %arg10: memref<384xi32, #tpu.memory_space<vmem>>, %arg11: memref<384x16xf32, #tpu.memory_space<vmem>>, %arg12: memref<384x16xf32, #tpu.memory_space<vmem>>, %arg13: memref<384x16xf32, #tpu.memory_space<vmem>>, %arg14: memref<384x16xf32, #tpu.memory_space<vmem>>, %arg15: memref<1536xf32, #tpu.memory_space<vmem>>, %arg16: memref<1536xf32, #tpu.memory_space<vmem>>, %arg17: memref<!tpu.dma_semaphore, #tpu.memory_space<semaphore_mem>>, %arg18: memref<!tpu.dma_semaphore, #tpu.memory_space<semaphore_mem>>, %arg19: memref<!tpu.dma_semaphore, #tpu.memory_space<semaphore_mem>>, %arg20: memref<!tpu.dma_semaphore, #tpu.memory_space<semaphore_mem>>, %arg21: memref<!tpu.dma_semaphore, #tpu.memory_space<semaphore_mem>>, %arg22: memref<!tpu.dma_semaphore, #tpu.memory_space<semaphore_mem>>, %arg23: memref<!tpu.dma_semaphore, #tpu.memory_space<semaphore_mem>>, %arg24: memref<!tpu.dma_semaphore, #tpu.memory_space<semaphore_mem>>) attributes {dimension_semantics = [#tpu.dimension_semantics<core_parallel>, #tpu.dimension_semantics<subcore_parallel>], iteration_bounds = array<i64: 2, 16>, scalar_prefetch = 0 : i64, scratch_operands = 19 : i64, tpu.core_type = #tpu.core_type<sc_vector_subcore>, window_params = [{transform_indices = #map}, {transform_indices = #map1}, {transform_indices = #map1}, {transform_indices = #map1}]} {
    %mul3A = arith.constant 2 : i32
    %mul3A_0 = arith.muli %arg1, %mul3A : i32
    %add3A = arith.addi %mul3A_0, %arg0 : i32
    %mul3A_1 = arith.constant 262 : i32
    %mul3A_2 = arith.muli %add3A, %mul3A_1 : i32
    %mul3A_3 = arith.constant 384 : i32
    %mul3A_4 = arith.muli %mul3A_2, %mul3A_3 : i32
    %mul3A_5 = arith.constant 6250 : i32
    %mul3A_6 = arith.muli %arg1, %mul3A_5 : i32
    %mul3A_7 = arith.constant 6250 : i32
    %mul3A_8 = arith.muli %arg1, %mul3A_7 : i32
    "tpu.region"() ({
      %run_scoped3A = tpu.sem_alloc : memref<!tpu.dma_semaphore, #tpu.memory_space<semaphore_mem>>
      %dma_start3A_143 = arith.constant 0 : i32
      %dma_start3A_144 = tpu.memref_slice %arg6[%mul3A_8, %dma_start3A_143] : memref<100000x16xf32, #tpu.memory_space<vmem_shared>> -> memref<6250x16xf32, #tpu.memory_space<vmem_shared>>
      %dma_start3A_145 = arith.constant 0 : i32
      %dma_start3A_146 = tpu.memref_slice %arg2[%mul3A_6, %dma_start3A_145] : memref<100000x16xf32, #tpu.memory_space<hbm>> -> memref<6250x16xf32, #tpu.memory_space<hbm>>
      tpu.enqueue_dma source(%dma_start3A_146 : memref<6250x16xf32, #tpu.memory_space<hbm>>) target(%dma_start3A_144 : memref<6250x16xf32, #tpu.memory_space<vmem_shared>>) target_semaphore(%run_scoped3A : memref<!tpu.dma_semaphore, #tpu.memory_space<semaphore_mem>>)
      %dma_wait3A_147 = arith.constant 0 : i32
      %dma_wait3A_148 = tpu.memref_slice %arg6[%mul3A_8, %dma_wait3A_147] : memref<100000x16xf32, #tpu.memory_space<vmem_shared>> -> memref<6250x16xf32, #tpu.memory_space<vmem_shared>>
      %dma_wait3A_149 = arith.constant 0 : i32
      %dma_wait3A_150 = tpu.memref_slice %arg2[%mul3A_6, %dma_wait3A_149] : memref<100000x16xf32, #tpu.memory_space<hbm>> -> memref<6250x16xf32, #tpu.memory_space<hbm>>
      tpu.wait_dma2 semaphore(%run_scoped3A : memref<!tpu.dma_semaphore, #tpu.memory_space<semaphore_mem>>) src(%dma_wait3A_150 : memref<6250x16xf32, #tpu.memory_space<hbm>>) dst(%dma_wait3A_148 : memref<6250x16xf32, #tpu.memory_space<vmem_shared>>)
      tpu.yield
    }) : () -> ()
    %barrier3A = arith.constant 0 : index
    tpu.barrier barrier_id(%barrier3A)
    %iota3A = tpu.iota {dimensions = array<i32: 0>} : vector<16xi32>
    %ge3A = arith.constant 1 : i32
    %ge3A_9 = vector.broadcast %ge3A : i32 to vector<16xi32>
    %ge3A_10 = arith.cmpi sge, %iota3A, %ge3A_9 : vector<16xi32>
    %convert_element_type3A = arith.extui %ge3A_10 : vector<16xi1> to vector<16xi32>
    %ge3A_11 = arith.constant 4 : i32
    %ge3A_12 = vector.broadcast %ge3A_11 : i32 to vector<16xi32>
    %ge3A_13 = arith.cmpi sge, %iota3A, %ge3A_12 : vector<16xi32>
    %convert_element_type3A_14 = arith.extui %ge3A_13 : vector<16xi1> to vector<16xi32>
    %mul3A_15 = arith.constant 3 : i32
    %mul3A_16 = vector.broadcast %mul3A_15 : i32 to vector<16xi32>
    %mul3A_17 = arith.muli %mul3A_16, %convert_element_type3A_14 : vector<16xi32>
    %add3A_18 = arith.addi %convert_element_type3A, %mul3A_17 : vector<16xi32>
    %ge3A_19 = arith.constant 9 : i32
    %ge3A_20 = vector.broadcast %ge3A_19 : i32 to vector<16xi32>
    %ge3A_21 = arith.cmpi sge, %iota3A, %ge3A_20 : vector<16xi32>
    %convert_element_type3A_22 = arith.extui %ge3A_21 : vector<16xi1> to vector<16xi32>
    %mul3A_23 = arith.constant 5 : i32
    %mul3A_24 = vector.broadcast %mul3A_23 : i32 to vector<16xi32>
    %mul3A_25 = arith.muli %mul3A_24, %convert_element_type3A_22 : vector<16xi32>
    %add3A_26 = arith.addi %add3A_18, %mul3A_25 : vector<16xi32>
    %sub3A = arith.constant 1 : i32
    %sub3A_27 = vector.broadcast %sub3A : i32 to vector<16xi32>
    %sub3A_28 = arith.subi %iota3A, %sub3A_27 : vector<16xi32>
    %max3A = arith.constant 0 : i32
    %max3A_29 = vector.broadcast %max3A : i32 to vector<16xi32>
    %max3A_30 = arith.maxsi %sub3A_28, %max3A_29 : vector<16xi32>
    %sub3A_31 = arith.constant 2 : i32
    %sub3A_32 = vector.broadcast %sub3A_31 : i32 to vector<16xi32>
    %sub3A_33 = arith.subi %iota3A, %sub3A_32 : vector<16xi32>
    %max3A_34 = arith.constant 0 : i32
    %max3A_35 = vector.broadcast %max3A_34 : i32 to vector<16xi32>
    %max3A_36 = arith.maxsi %sub3A_33, %max3A_35 : vector<16xi32>
    %sub3A_37 = arith.constant 4 : i32
    %sub3A_38 = vector.broadcast %sub3A_37 : i32 to vector<16xi32>
    %sub3A_39 = arith.subi %iota3A, %sub3A_38 : vector<16xi32>
    %max3A_40 = arith.constant 0 : i32
    %max3A_41 = vector.broadcast %max3A_40 : i32 to vector<16xi32>
    %max3A_42 = arith.maxsi %sub3A_39, %max3A_41 : vector<16xi32>
    %sub3A_43 = arith.constant 1 : i32
    %sub3A_44 = vector.broadcast %sub3A_43 : i32 to vector<16xi32>
    %sub3A_45 = arith.subi %iota3A, %sub3A_44 : vector<16xi32>
    %ge3A_46 = arith.cmpi sge, %sub3A_45, %add3A_26 : vector<16xi32>
    %sub3A_47 = arith.constant 2 : i32
    %sub3A_48 = vector.broadcast %sub3A_47 : i32 to vector<16xi32>
    %sub3A_49 = arith.subi %iota3A, %sub3A_48 : vector<16xi32>
    %ge3A_50 = arith.cmpi sge, %sub3A_49, %add3A_26 : vector<16xi32>
    %sub3A_51 = arith.constant 4 : i32
    %sub3A_52 = vector.broadcast %sub3A_51 : i32 to vector<16xi32>
    %sub3A_53 = arith.subi %iota3A, %sub3A_52 : vector<16xi32>
    %ge3A_54 = arith.cmpi sge, %sub3A_53, %add3A_26 : vector<16xi32>
    %and3A = arith.constant 3 : i32
    %and3A_55 = vector.broadcast %and3A : i32 to vector<16xi32>
    %and3A_56 = arith.andi %iota3A, %and3A_55 : vector<16xi32>
    %mul3A_57 = arith.muli %and3A_56, %and3A_56 : vector<16xi32>
    %mul3A_58 = arith.constant 2 : i32
    %mul3A_59 = vector.broadcast %mul3A_58 : i32 to vector<16xi32>
    %mul3A_60 = arith.muli %mul3A_59, %and3A_56 : vector<16xi32>
    %add3A_61 = arith.addi %mul3A_57, %mul3A_60 : vector<16xi32>
    %shift_right_arithmetic3A = arith.constant 2 : i32
    %shift_right_arithmetic3A_62 = vector.broadcast %shift_right_arithmetic3A : i32 to vector<16xi32>
    %shift_right_arithmetic3A_63 = arith.shrsi %iota3A, %shift_right_arithmetic3A_62 : vector<16xi32>
    %add3A_64 = arith.constant 0 : i32
    %add3A_65 = arith.addi %mul3A_4, %add3A_64 : i32
    %dma_start3A = tpu.memref_slice %arg3[%add3A_65] : memref<3219456xi32, #tpu.memory_space<hbm>> -> memref<384xi32, #tpu.memory_space<hbm>>
    %dma_start3A_66 = tpu.memref_slice %arg3[%add3A_65] : memref<3219456xi32, #tpu.memory_space<hbm>> -> memref<384xi32, #tpu.memory_space<hbm>>
    tpu.enqueue_dma source(%dma_start3A_66 : memref<384xi32, #tpu.memory_space<hbm>>) target(%arg7 : memref<384xi32, #tpu.memory_space<vmem>>) target_semaphore(%arg17 : memref<!tpu.dma_semaphore, #tpu.memory_space<semaphore_mem>>)
    %dma_start3A_67 = tpu.memref_slice %arg4[%add3A_65] : memref<3219456xi32, #tpu.memory_space<hbm>> -> memref<384xi32, #tpu.memory_space<hbm>>
    %dma_start3A_68 = tpu.memref_slice %arg4[%add3A_65] : memref<3219456xi32, #tpu.memory_space<hbm>> -> memref<384xi32, #tpu.memory_space<hbm>>
    tpu.enqueue_dma source(%dma_start3A_68 : memref<384xi32, #tpu.memory_space<hbm>>) target(%arg9 : memref<384xi32, #tpu.memory_space<vmem>>) target_semaphore(%arg17 : memref<!tpu.dma_semaphore, #tpu.memory_space<semaphore_mem>>)
    %add3A_69 = arith.constant 384 : i32
    %add3A_70 = arith.addi %mul3A_4, %add3A_69 : i32
    %dma_start3A_71 = tpu.memref_slice %arg3[%add3A_70] : memref<3219456xi32, #tpu.memory_space<hbm>> -> memref<384xi32, #tpu.memory_space<hbm>>
    %dma_start3A_72 = tpu.memref_slice %arg3[%add3A_70] : memref<3219456xi32, #tpu.memory_space<hbm>> -> memref<384xi32, #tpu.memory_space<hbm>>
    tpu.enqueue_dma source(%dma_start3A_72 : memref<384xi32, #tpu.memory_space<hbm>>) target(%arg8 : memref<384xi32, #tpu.memory_space<vmem>>) target_semaphore(%arg18 : memref<!tpu.dma_semaphore, #tpu.memory_space<semaphore_mem>>)
    %dma_start3A_73 = tpu.memref_slice %arg4[%add3A_70] : memref<3219456xi32, #tpu.memory_space<hbm>> -> memref<384xi32, #tpu.memory_space<hbm>>
    %dma_start3A_74 = tpu.memref_slice %arg4[%add3A_70] : memref<3219456xi32, #tpu.memory_space<hbm>> -> memref<384xi32, #tpu.memory_space<hbm>>
    tpu.enqueue_dma source(%dma_start3A_74 : memref<384xi32, #tpu.memory_space<hbm>>) target(%arg10 : memref<384xi32, #tpu.memory_space<vmem>>) target_semaphore(%arg18 : memref<!tpu.dma_semaphore, #tpu.memory_space<semaphore_mem>>)
    %dma_wait3A = arith.constant 0 : i32
    %dma_wait3A_75 = tpu.memref_slice %arg3[%dma_wait3A] : memref<3219456xi32, #tpu.memory_space<hbm>> -> memref<384xi32, #tpu.memory_space<hbm>>
    %dma_wait3A_76 = arith.constant 0 : i32
    %dma_wait3A_77 = tpu.memref_slice %arg3[%dma_wait3A_76] : memref<3219456xi32, #tpu.memory_space<hbm>> -> memref<384xi32, #tpu.memory_space<hbm>>
    tpu.wait_dma2 semaphore(%arg17 : memref<!tpu.dma_semaphore, #tpu.memory_space<semaphore_mem>>) src(%dma_wait3A_77 : memref<384xi32, #tpu.memory_space<hbm>>) dst(%arg7 : memref<384xi32, #tpu.memory_space<vmem>>)
    %dma_wait3A_78 = arith.constant 0 : i32
    %dma_wait3A_79 = tpu.memref_slice %arg4[%dma_wait3A_78] : memref<3219456xi32, #tpu.memory_space<hbm>> -> memref<384xi32, #tpu.memory_space<hbm>>
    %dma_wait3A_80 = arith.constant 0 : i32
    %dma_wait3A_81 = tpu.memref_slice %arg4[%dma_wait3A_80] : memref<3219456xi32, #tpu.memory_space<hbm>> -> memref<384xi32, #tpu.memory_space<hbm>>
    tpu.wait_dma2 semaphore(%arg17 : memref<!tpu.dma_semaphore, #tpu.memory_space<semaphore_mem>>) src(%dma_wait3A_81 : memref<384xi32, #tpu.memory_space<hbm>>) dst(%arg9 : memref<384xi32, #tpu.memory_space<vmem>>)
    %dma_start3A_82 = arith.constant 0 : i32
    %dma_start3A_83 = arith.constant 0 : i32
    %dma_start3A_84 = tpu.memref_slice %arg11[%dma_start3A_82, %dma_start3A_83] : memref<384x16xf32, #tpu.memory_space<vmem>> -> memref<128x16xf32, #tpu.memory_space<vmem>>
    %dma_start3A_85 = arith.constant 0 : i32
    %dma_start3A_86 = tpu.memref_slice %arg7[%dma_start3A_85] : memref<384xi32, #tpu.memory_space<vmem>> -> memref<128xi32, #tpu.memory_space<vmem>>
    %dma_start3A_87 = arith.constant 0 : i32
    %dma_start3A_88 = arith.constant 0 : i32
    %dma_start3A_89 = tpu.memref_slice %arg6[%dma_start3A_87, %dma_start3A_88] : memref<100000x16xf32, #tpu.memory_space<vmem_shared>> -> memref<100000x16xf32, #tpu.memory_space<vmem_shared>>
    tpu.enqueue_indirect_dma source(%dma_start3A_89 : memref<100000x16xf32, #tpu.memory_space<vmem_shared>>) target(%dma_start3A_84 : memref<128x16xf32, #tpu.memory_space<vmem>>) offsets(%dma_start3A_86 : memref<128xi32, #tpu.memory_space<vmem>>) semaphore(%arg19 : memref<!tpu.dma_semaphore, #tpu.memory_space<semaphore_mem>>)
    %dma_start3A_90 = arith.constant 0 : i32
    %dma_start3A_91 = arith.constant 0 : i32
    %dma_start3A_92 = tpu.memref_slice %arg13[%dma_start3A_90, %dma_start3A_91] : memref<384x16xf32, #tpu.memory_space<vmem>> -> memref<128x16xf32, #tpu.memory_space<vmem>>
    %dma_start3A_93 = arith.constant 0 : i32
    %dma_start3A_94 = tpu.memref_slice %arg9[%dma_start3A_93] : memref<384xi32, #tpu.memory_space<vmem>> -> memref<128xi32, #tpu.memory_space<vmem>>
    %dma_start3A_95 = arith.constant 0 : i32
    %dma_start3A_96 = arith.constant 0 : i32
    %dma_start3A_97 = tpu.memref_slice %arg2[%dma_start3A_95, %dma_start3A_96] : memref<100000x16xf32, #tpu.memory_space<hbm>> -> memref<100000x16xf32, #tpu.memory_space<hbm>>
    tpu.enqueue_indirect_dma source(%dma_start3A_97 : memref<100000x16xf32, #tpu.memory_space<hbm>>) target(%dma_start3A_92 : memref<128x16xf32, #tpu.memory_space<vmem>>) offsets(%dma_start3A_94 : memref<128xi32, #tpu.memory_space<vmem>>) semaphore(%arg21 : memref<!tpu.dma_semaphore, #tpu.memory_space<semaphore_mem>>)
    %dma_start3A_98 = arith.constant 128 : i32
    %dma_start3A_99 = arith.constant 0 : i32
    %dma_start3A_100 = tpu.memref_slice %arg11[%dma_start3A_98, %dma_start3A_99] : memref<384x16xf32, #tpu.memory_space<vmem>> -> memref<128x16xf32, #tpu.memory_space<vmem>>
    %dma_start3A_101 = arith.constant 128 : i32
    %dma_start3A_102 = tpu.memref_slice %arg7[%dma_start3A_101] : memref<384xi32, #tpu.memory_space<vmem>> -> memref<128xi32, #tpu.memory_space<vmem>>
    %dma_start3A_103 = arith.constant 0 : i32
    %dma_start3A_104 = arith.constant 0 : i32
    %dma_start3A_105 = tpu.memref_slice %arg6[%dma_start3A_103, %dma_start3A_104] : memref<100000x16xf32, #tpu.memory_space<vmem_shared>> -> memref<100000x16xf32, #tpu.memory_space<vmem_shared>>
    tpu.enqueue_indirect_dma source(%dma_start3A_105 : memref<100000x16xf32, #tpu.memory_space<vmem_shared>>) target(%dma_start3A_100 : memref<128x16xf32, #tpu.memory_space<vmem>>) offsets(%dma_start3A_102 : memref<128xi32, #tpu.memory_space<vmem>>) semaphore(%arg19 : memref<!tpu.dma_semaphore, #tpu.memory_space<semaphore_mem>>)
    %dma_start3A_106 = arith.constant 128 : i32
    %dma_start3A_107 = arith.constant 0 : i32
    %dma_start3A_108 = tpu.memref_slice %arg13[%dma_start3A_106, %dma_start3A_107] : memref<384x16xf32, #tpu.memory_space<vmem>> -> memref<128x16xf32, #tpu.memory_space<vmem>>
    %dma_start3A_109 = arith.constant 128 : i32
    %dma_start3A_110 = tpu.memref_slice %arg9[%dma_start3A_109] : memref<384xi32, #tpu.memory_space<vmem>> -> memref<128xi32, #tpu.memory_space<vmem>>
    %dma_start3A_111 = arith.constant 0 : i32
    %dma_start3A_112 = arith.constant 0 : i32
    %dma_start3A_113 = tpu.memref_slice %arg2[%dma_start3A_111, %dma_start3A_112] : memref<100000x16xf32, #tpu.memory_space<hbm>> -> memref<100000x16xf32, #tpu.memory_space<hbm>>
    tpu.enqueue_indirect_dma source(%dma_start3A_113 : memref<100000x16xf32, #tpu.memory_space<hbm>>) target(%dma_start3A_108 : memref<128x16xf32, #tpu.memory_space<vmem>>) offsets(%dma_start3A_110 : memref<128xi32, #tpu.memory_space<vmem>>) semaphore(%arg21 : memref<!tpu.dma_semaphore, #tpu.memory_space<semaphore_mem>>)
    %dma_start3A_114 = arith.constant 256 : i32
    %dma_start3A_115 = arith.constant 0 : i32
    %dma_start3A_116 = tpu.memref_slice %arg11[%dma_start3A_114, %dma_start3A_115] : memref<384x16xf32, #tpu.memory_space<vmem>> -> memref<128x16xf32, #tpu.memory_space<vmem>>
    %dma_start3A_117 = arith.constant 256 : i32
    %dma_start3A_118 = tpu.memref_slice %arg7[%dma_start3A_117] : memref<384xi32, #tpu.memory_space<vmem>> -> memref<128xi32, #tpu.memory_space<vmem>>
    %dma_start3A_119 = arith.constant 0 : i32
    %dma_start3A_120 = arith.constant 0 : i32
    %dma_start3A_121 = tpu.memref_slice %arg6[%dma_start3A_119, %dma_start3A_120] : memref<100000x16xf32, #tpu.memory_space<vmem_shared>> -> memref<100000x16xf32, #tpu.memory_space<vmem_shared>>
    tpu.enqueue_indirect_dma source(%dma_start3A_121 : memref<100000x16xf32, #tpu.memory_space<vmem_shared>>) target(%dma_start3A_116 : memref<128x16xf32, #tpu.memory_space<vmem>>) offsets(%dma_start3A_118 : memref<128xi32, #tpu.memory_space<vmem>>) semaphore(%arg19 : memref<!tpu.dma_semaphore, #tpu.memory_space<semaphore_mem>>)
    %dma_start3A_122 = arith.constant 256 : i32
    %dma_start3A_123 = arith.constant 0 : i32
    %dma_start3A_124 = tpu.memref_slice %arg13[%dma_start3A_122, %dma_start3A_123] : memref<384x16xf32, #tpu.memory_space<vmem>> -> memref<128x16xf32, #tpu.memory_space<vmem>>
    %dma_start3A_125 = arith.constant 256 : i32
    %dma_start3A_126 = tpu.memref_slice %arg9[%dma_start3A_125] : memref<384xi32, #tpu.memory_space<vmem>> -> memref<128xi32, #tpu.memory_space<vmem>>
    %dma_start3A_127 = arith.constant 0 : i32
    %dma_start3A_128 = arith.constant 0 : i32
    %dma_start3A_129 = tpu.memref_slice %arg2[%dma_start3A_127, %dma_start3A_128] : memref<100000x16xf32, #tpu.memory_space<hbm>> -> memref<100000x16xf32, #tpu.memory_space<hbm>>
    tpu.enqueue_indirect_dma source(%dma_start3A_129 : memref<100000x16xf32, #tpu.memory_space<hbm>>) target(%dma_start3A_124 : memref<128x16xf32, #tpu.memory_space<vmem>>) offsets(%dma_start3A_126 : memref<128xi32, #tpu.memory_space<vmem>>) semaphore(%arg21 : memref<!tpu.dma_semaphore, #tpu.memory_space<semaphore_mem>>)
    %scan3A = arith.constant 0.000000e+00 : f32
    %scan3A_130 = arith.constant 0 : i32
    %scan3A_131 = arith.constant 131 : i32
    %scan3A_132 = arith.addi %scan3A_130, %scan3A_131 : i32
    %scan3A_133 = arith.constant 1 : i32
    scf.for %scan3A_143 = %scan3A_130 to %scan3A_132 step %scan3A_133  : i32 {
      %mul3A_144 = arith.constant 2 : i32
      %mul3A_145 = arith.muli %scan3A_143, %mul3A_144 : i32
      %add3A_146 = arith.constant 0 : i32
      %add3A_147 = arith.addi %add3A_146, %mul3A_145 : i32
      %add3A_148 = arith.constant 0 : i32
      %add3A_149 = arith.addi %add3A_147, %add3A_148 : i32
      %dma_wait3A_150 = arith.constant 0 : i32
      %dma_wait3A_151 = arith.constant 0 : i32
      %dma_wait3A_152 = tpu.memref_slice %arg6[%dma_wait3A_150, %dma_wait3A_151] : memref<100000x16xf32, #tpu.memory_space<vmem_shared>> -> memref<384x16xf32, #tpu.memory_space<vmem_shared>>
      %dma_wait3A_153 = arith.constant 0 : i32
      %dma_wait3A_154 = arith.constant 0 : i32
      %dma_wait3A_155 = tpu.memref_slice %arg6[%dma_wait3A_153, %dma_wait3A_154] : memref<100000x16xf32, #tpu.memory_space<vmem_shared>> -> memref<384x16xf32, #tpu.memory_space<vmem_shared>>
      tpu.wait_dma2 semaphore(%arg19 : memref<!tpu.dma_semaphore, #tpu.memory_space<semaphore_mem>>) src(%dma_wait3A_155 : memref<384x16xf32, #tpu.memory_space<vmem_shared>>) dst(%arg11 : memref<384x16xf32, #tpu.memory_space<vmem>>)
      %dma_wait3A_156 = arith.constant 0 : i32
      %dma_wait3A_157 = arith.constant 0 : i32
      %dma_wait3A_158 = tpu.memref_slice %arg2[%dma_wait3A_156, %dma_wait3A_157] : memref<100000x16xf32, #tpu.memory_space<hbm>> -> memref<384x16xf32, #tpu.memory_space<hbm>>
      %dma_wait3A_159 = arith.constant 0 : i32
      %dma_wait3A_160 = arith.constant 0 : i32
      %dma_wait3A_161 = tpu.memref_slice %arg2[%dma_wait3A_159, %dma_wait3A_160] : memref<100000x16xf32, #tpu.memory_space<hbm>> -> memref<384x16xf32, #tpu.memory_space<hbm>>
      tpu.wait_dma2 semaphore(%arg21 : memref<!tpu.dma_semaphore, #tpu.memory_space<semaphore_mem>>) src(%dma_wait3A_161 : memref<384x16xf32, #tpu.memory_space<hbm>>) dst(%arg13 : memref<384x16xf32, #tpu.memory_space<vmem>>)
      %add3A_162 = arith.constant 2 : i32
      %add3A_163 = arith.addi %add3A_149, %add3A_162 : i32
      %lt3A = arith.constant 262 : i32
      %lt3A_164 = arith.cmpi slt, %add3A_163, %lt3A : i32
      %convert_element_type3A_165 = arith.extui %lt3A_164 : i1 to i32
      %cond3A = arith.constant 0 : i32
      %cond3A_166 = arith.cmpi ne, %convert_element_type3A_165, %cond3A : i32
      scf.if %cond3A_166 {
        %add3A_231 = arith.constant 2 : i32
        %add3A_232 = arith.addi %add3A_149, %add3A_231 : i32
        %mul3A_233 = arith.constant 384 : i32
        %mul3A_234 = arith.muli %add3A_232, %mul3A_233 : i32
        %add3A_235 = arith.addi %mul3A_4, %mul3A_234 : i32
        %dma_start3A_236 = tpu.memref_slice %arg3[%add3A_235] : memref<3219456xi32, #tpu.memory_space<hbm>> -> memref<384xi32, #tpu.memory_space<hbm>>
        %dma_start3A_237 = tpu.memref_slice %arg3[%add3A_235] : memref<3219456xi32, #tpu.memory_space<hbm>> -> memref<384xi32, #tpu.memory_space<hbm>>
        tpu.enqueue_dma source(%dma_start3A_237 : memref<384xi32, #tpu.memory_space<hbm>>) target(%arg7 : memref<384xi32, #tpu.memory_space<vmem>>) target_semaphore(%arg17 : memref<!tpu.dma_semaphore, #tpu.memory_space<semaphore_mem>>)
        %dma_start3A_238 = tpu.memref_slice %arg4[%add3A_235] : memref<3219456xi32, #tpu.memory_space<hbm>> -> memref<384xi32, #tpu.memory_space<hbm>>
        %dma_start3A_239 = tpu.memref_slice %arg4[%add3A_235] : memref<3219456xi32, #tpu.memory_space<hbm>> -> memref<384xi32, #tpu.memory_space<hbm>>
        tpu.enqueue_dma source(%dma_start3A_239 : memref<384xi32, #tpu.memory_space<hbm>>) target(%arg9 : memref<384xi32, #tpu.memory_space<vmem>>) target_semaphore(%arg17 : memref<!tpu.dma_semaphore, #tpu.memory_space<semaphore_mem>>)
      } else {
      }
      %add3A_167 = arith.constant 1 : i32
      %add3A_168 = arith.addi %add3A_149, %add3A_167 : i32
      %lt3A_169 = arith.constant 262 : i32
      %lt3A_170 = arith.cmpi slt, %add3A_168, %lt3A_169 : i32
      %convert_element_type3A_171 = arith.extui %lt3A_170 : i1 to i32
      %cond3A_172 = arith.constant 0 : i32
      %cond3A_173 = arith.cmpi ne, %convert_element_type3A_171, %cond3A_172 : i32
      scf.if %cond3A_173 {
        %dma_wait3A_231 = arith.constant 0 : i32
        %dma_wait3A_232 = tpu.memref_slice %arg3[%dma_wait3A_231] : memref<3219456xi32, #tpu.memory_space<hbm>> -> memref<384xi32, #tpu.memory_space<hbm>>
        %dma_wait3A_233 = arith.constant 0 : i32
        %dma_wait3A_234 = tpu.memref_slice %arg3[%dma_wait3A_233] : memref<3219456xi32, #tpu.memory_space<hbm>> -> memref<384xi32, #tpu.memory_space<hbm>>
        tpu.wait_dma2 semaphore(%arg18 : memref<!tpu.dma_semaphore, #tpu.memory_space<semaphore_mem>>) src(%dma_wait3A_234 : memref<384xi32, #tpu.memory_space<hbm>>) dst(%arg8 : memref<384xi32, #tpu.memory_space<vmem>>)
        %dma_wait3A_235 = arith.constant 0 : i32
        %dma_wait3A_236 = tpu.memref_slice %arg4[%dma_wait3A_235] : memref<3219456xi32, #tpu.memory_space<hbm>> -> memref<384xi32, #tpu.memory_space<hbm>>
        %dma_wait3A_237 = arith.constant 0 : i32
        %dma_wait3A_238 = tpu.memref_slice %arg4[%dma_wait3A_237] : memref<3219456xi32, #tpu.memory_space<hbm>> -> memref<384xi32, #tpu.memory_space<hbm>>
        tpu.wait_dma2 semaphore(%arg18 : memref<!tpu.dma_semaphore, #tpu.memory_space<semaphore_mem>>) src(%dma_wait3A_238 : memref<384xi32, #tpu.memory_space<hbm>>) dst(%arg10 : memref<384xi32, #tpu.memory_space<vmem>>)
        %dma_start3A_239 = arith.constant 0 : i32
        %dma_start3A_240 = arith.constant 0 : i32
        %dma_start3A_241 = tpu.memref_slice %arg12[%dma_start3A_239, %dma_start3A_240] : memref<384x16xf32, #tpu.memory_space<vmem>> -> memref<128x16xf32, #tpu.memory_space<vmem>>
        %dma_start3A_242 = arith.constant 0 : i32
        %dma_start3A_243 = tpu.memref_slice %arg8[%dma_start3A_242] : memref<384xi32, #tpu.memory_space<vmem>> -> memref<128xi32, #tpu.memory_space<vmem>>
        %dma_start3A_244 = arith.constant 0 : i32
        %dma_start3A_245 = arith.constant 0 : i32
        %dma_start3A_246 = tpu.memref_slice %arg6[%dma_start3A_244, %dma_start3A_245] : memref<100000x16xf32, #tpu.memory_space<vmem_shared>> -> memref<100000x16xf32, #tpu.memory_space<vmem_shared>>
        tpu.enqueue_indirect_dma source(%dma_start3A_246 : memref<100000x16xf32, #tpu.memory_space<vmem_shared>>) target(%dma_start3A_241 : memref<128x16xf32, #tpu.memory_space<vmem>>) offsets(%dma_start3A_243 : memref<128xi32, #tpu.memory_space<vmem>>) semaphore(%arg20 : memref<!tpu.dma_semaphore, #tpu.memory_space<semaphore_mem>>)
        %dma_start3A_247 = arith.constant 0 : i32
        %dma_start3A_248 = arith.constant 0 : i32
        %dma_start3A_249 = tpu.memref_slice %arg14[%dma_start3A_247, %dma_start3A_248] : memref<384x16xf32, #tpu.memory_space<vmem>> -> memref<128x16xf32, #tpu.memory_space<vmem>>
        %dma_start3A_250 = arith.constant 0 : i32
        %dma_start3A_251 = tpu.memref_slice %arg10[%dma_start3A_250] : memref<384xi32, #tpu.memory_space<vmem>> -> memref<128xi32, #tpu.memory_space<vmem>>
        %dma_start3A_252 = arith.constant 0 : i32
        %dma_start3A_253 = arith.constant 0 : i32
        %dma_start3A_254 = tpu.memref_slice %arg2[%dma_start3A_252, %dma_start3A_253] : memref<100000x16xf32, #tpu.memory_space<hbm>> -> memref<100000x16xf32, #tpu.memory_space<hbm>>
        tpu.enqueue_indirect_dma source(%dma_start3A_254 : memref<100000x16xf32, #tpu.memory_space<hbm>>) target(%dma_start3A_249 : memref<128x16xf32, #tpu.memory_space<vmem>>) offsets(%dma_start3A_251 : memref<128xi32, #tpu.memory_space<vmem>>) semaphore(%arg22 : memref<!tpu.dma_semaphore, #tpu.memory_space<semaphore_mem>>)
        %dma_start3A_255 = arith.constant 128 : i32
        %dma_start3A_256 = arith.constant 0 : i32
        %dma_start3A_257 = tpu.memref_slice %arg12[%dma_start3A_255, %dma_start3A_256] : memref<384x16xf32, #tpu.memory_space<vmem>> -> memref<128x16xf32, #tpu.memory_space<vmem>>
        %dma_start3A_258 = arith.constant 128 : i32
        %dma_start3A_259 = tpu.memref_slice %arg8[%dma_start3A_258] : memref<384xi32, #tpu.memory_space<vmem>> -> memref<128xi32, #tpu.memory_space<vmem>>
        %dma_start3A_260 = arith.constant 0 : i32
        %dma_start3A_261 = arith.constant 0 : i32
        %dma_start3A_262 = tpu.memref_slice %arg6[%dma_start3A_260, %dma_start3A_261] : memref<100000x16xf32, #tpu.memory_space<vmem_shared>> -> memref<100000x16xf32, #tpu.memory_space<vmem_shared>>
        tpu.enqueue_indirect_dma source(%dma_start3A_262 : memref<100000x16xf32, #tpu.memory_space<vmem_shared>>) target(%dma_start3A_257 : memref<128x16xf32, #tpu.memory_space<vmem>>) offsets(%dma_start3A_259 : memref<128xi32, #tpu.memory_space<vmem>>) semaphore(%arg20 : memref<!tpu.dma_semaphore, #tpu.memory_space<semaphore_mem>>)
        %dma_start3A_263 = arith.constant 128 : i32
        %dma_start3A_264 = arith.constant 0 : i32
        %dma_start3A_265 = tpu.memref_slice %arg14[%dma_start3A_263, %dma_start3A_264] : memref<384x16xf32, #tpu.memory_space<vmem>> -> memref<128x16xf32, #tpu.memory_space<vmem>>
        %dma_start3A_266 = arith.constant 128 : i32
        %dma_start3A_267 = tpu.memref_slice %arg10[%dma_start3A_266] : memref<384xi32, #tpu.memory_space<vmem>> -> memref<128xi32, #tpu.memory_space<vmem>>
        %dma_start3A_268 = arith.constant 0 : i32
        %dma_start3A_269 = arith.constant 0 : i32
        %dma_start3A_270 = tpu.memref_slice %arg2[%dma_start3A_268, %dma_start3A_269] : memref<100000x16xf32, #tpu.memory_space<hbm>> -> memref<100000x16xf32, #tpu.memory_space<hbm>>
        tpu.enqueue_indirect_dma source(%dma_start3A_270 : memref<100000x16xf32, #tpu.memory_space<hbm>>) target(%dma_start3A_265 : memref<128x16xf32, #tpu.memory_space<vmem>>) offsets(%dma_start3A_267 : memref<128xi32, #tpu.memory_space<vmem>>) semaphore(%arg22 : memref<!tpu.dma_semaphore, #tpu.memory_space<semaphore_mem>>)
        %dma_start3A_271 = arith.constant 256 : i32
        %dma_start3A_272 = arith.constant 0 : i32
        %dma_start3A_273 = tpu.memref_slice %arg12[%dma_start3A_271, %dma_start3A_272] : memref<384x16xf32, #tpu.memory_space<vmem>> -> memref<128x16xf32, #tpu.memory_space<vmem>>
        %dma_start3A_274 = arith.constant 256 : i32
        %dma_start3A_275 = tpu.memref_slice %arg8[%dma_start3A_274] : memref<384xi32, #tpu.memory_space<vmem>> -> memref<128xi32, #tpu.memory_space<vmem>>
        %dma_start3A_276 = arith.constant 0 : i32
        %dma_start3A_277 = arith.constant 0 : i32
        %dma_start3A_278 = tpu.memref_slice %arg6[%dma_start3A_276, %dma_start3A_277] : memref<100000x16xf32, #tpu.memory_space<vmem_shared>> -> memref<100000x16xf32, #tpu.memory_space<vmem_shared>>
        tpu.enqueue_indirect_dma source(%dma_start3A_278 : memref<100000x16xf32, #tpu.memory_space<vmem_shared>>) target(%dma_start3A_273 : memref<128x16xf32, #tpu.memory_space<vmem>>) offsets(%dma_start3A_275 : memref<128xi32, #tpu.memory_space<vmem>>) semaphore(%arg20 : memref<!tpu.dma_semaphore, #tpu.memory_space<semaphore_mem>>)
        %dma_start3A_279 = arith.constant 256 : i32
        %dma_start3A_280 = arith.constant 0 : i32
        %dma_start3A_281 = tpu.memref_slice %arg14[%dma_start3A_279, %dma_start3A_280] : memref<384x16xf32, #tpu.memory_space<vmem>> -> memref<128x16xf32, #tpu.memory_space<vmem>>
        %dma_start3A_282 = arith.constant 256 : i32
        %dma_start3A_283 = tpu.memref_slice %arg10[%dma_start3A_282] : memref<384xi32, #tpu.memory_space<vmem>> -> memref<128xi32, #tpu.memory_space<vmem>>
        %dma_start3A_284 = arith.constant 0 : i32
        %dma_start3A_285 = arith.constant 0 : i32
        %dma_start3A_286 = tpu.memref_slice %arg2[%dma_start3A_284, %dma_start3A_285] : memref<100000x16xf32, #tpu.memory_space<hbm>> -> memref<100000x16xf32, #tpu.memory_space<hbm>>
        tpu.enqueue_indirect_dma source(%dma_start3A_286 : memref<100000x16xf32, #tpu.memory_space<hbm>>) target(%dma_start3A_281 : memref<128x16xf32, #tpu.memory_space<vmem>>) offsets(%dma_start3A_283 : memref<128xi32, #tpu.memory_space<vmem>>) semaphore(%arg22 : memref<!tpu.dma_semaphore, #tpu.memory_space<semaphore_mem>>)
      } else {
      }
      %ge3A_174 = arith.constant 2 : i32
      %ge3A_175 = arith.cmpi sge, %add3A_149, %ge3A_174 : i32
      %convert_element_type3A_176 = arith.extui %ge3A_175 : i1 to i32
      %cond3A_177 = arith.constant 0 : i32
      %cond3A_178 = arith.cmpi ne, %convert_element_type3A_176, %cond3A_177 : i32
      scf.if %cond3A_178 {
        %dma_wait3A_231 = arith.constant 0 : i32
        %dma_wait3A_232 = tpu.memref_slice %arg5[%dma_wait3A_231] : memref<12877824xf32, #tpu.memory_space<hbm>> -> memref<1536xf32, #tpu.memory_space<hbm>>
        %dma_wait3A_233 = arith.constant 0 : i32
        %dma_wait3A_234 = tpu.memref_slice %arg5[%dma_wait3A_233] : memref<12877824xf32, #tpu.memory_space<hbm>> -> memref<1536xf32, #tpu.memory_space<hbm>>
        tpu.wait_dma2 semaphore(%arg23 : memref<!tpu.dma_semaphore, #tpu.memory_space<semaphore_mem>>) src(%arg15 : memref<1536xf32, #tpu.memory_space<vmem>>) dst(%dma_wait3A_234 : memref<1536xf32, #tpu.memory_space<hbm>>)
      } else {
      }
      %parallel_loop3A = arith.constant 0 : i32
      %parallel_loop3A_179 = arith.constant 384 : i32
      %parallel_loop3A_180 = arith.constant 4 : i32
      scf.for %parallel_loop3A_231 = %parallel_loop3A to %parallel_loop3A_179 step %parallel_loop3A_180  : i32 {
        %parallel_loop3A_232 = arith.constant 0 : i32
        %parallel_loop3A_233 = arith.addi %parallel_loop3A_231, %parallel_loop3A_232 : i32
        %parallel_loop3A_234 = arith.index_cast %parallel_loop3A_233 : i32 to index
        %parallel_loop3A_235 = arith.constant 0 : index
        %parallel_loop3A_236 = tpu.vector_load %arg11[%parallel_loop3A_234, %parallel_loop3A_235] {strides = array<i32>} : memref<384x16xf32, #tpu.memory_space<vmem>>, vector<16xf32>,
        %parallel_loop3A_237 = arith.constant 0 : i32
        %parallel_loop3A_238 = arith.addi %parallel_loop3A_231, %parallel_loop3A_237 : i32
        %parallel_loop3A_239 = arith.index_cast %parallel_loop3A_238 : i32 to index
        %parallel_loop3A_240 = arith.constant 0 : index
        %parallel_loop3A_241 = tpu.vector_load %arg13[%parallel_loop3A_239, %parallel_loop3A_240] {strides = array<i32>} : memref<384x16xf32, #tpu.memory_space<vmem>>, vector<16xf32>,
        %parallel_loop3A_242 = arith.mulf %parallel_loop3A_236, %parallel_loop3A_241 : vector<16xf32>
        %parallel_loop3A_243 = vector.shape_cast %max3A_30 : vector<16xi32> to vector<16x1xi32>
        %parallel_loop3A_244 = vector.shape_cast %parallel_loop3A_243 : vector<16x1xi32> to vector<16xi32>
        %parallel_loop3A_245 = tpu.dynamic_gather %parallel_loop3A_242[%parallel_loop3A_244] in [0] : vector<16xf32>, vector<16xi32> -> vector<16xf32>
        %parallel_loop3A_246 = vector.broadcast %scan3A : f32 to vector<16xf32>
        %parallel_loop3A_247 = arith.select %ge3A_46, %parallel_loop3A_245, %parallel_loop3A_246 : vector<16xi1>, vector<16xf32>
        %parallel_loop3A_248 = arith.addf %parallel_loop3A_242, %parallel_loop3A_247 : vector<16xf32>
        %parallel_loop3A_249 = vector.shape_cast %max3A_36 : vector<16xi32> to vector<16x1xi32>
        %parallel_loop3A_250 = vector.shape_cast %parallel_loop3A_249 : vector<16x1xi32> to vector<16xi32>
        %parallel_loop3A_251 = tpu.dynamic_gather %parallel_loop3A_248[%parallel_loop3A_250] in [0] : vector<16xf32>, vector<16xi32> -> vector<16xf32>
        %parallel_loop3A_252 = vector.broadcast %scan3A : f32 to vector<16xf32>
        %parallel_loop3A_253 = arith.select %ge3A_50, %parallel_loop3A_251, %parallel_loop3A_252 : vector<16xi1>, vector<16xf32>
        %parallel_loop3A_254 = arith.addf %parallel_loop3A_248, %parallel_loop3A_253 : vector<16xf32>
        %parallel_loop3A_255 = vector.shape_cast %max3A_42 : vector<16xi32> to vector<16x1xi32>
        %parallel_loop3A_256 = vector.shape_cast %parallel_loop3A_255 : vector<16x1xi32> to vector<16xi32>
        %parallel_loop3A_257 = tpu.dynamic_gather %parallel_loop3A_254[%parallel_loop3A_256] in [0] : vector<16xf32>, vector<16xi32> -> vector<16xf32>
        %parallel_loop3A_258 = vector.broadcast %scan3A : f32 to vector<16xf32>
        %parallel_loop3A_259 = arith.select %ge3A_54, %parallel_loop3A_257, %parallel_loop3A_258 : vector<16xi1>, vector<16xf32>
        %parallel_loop3A_260 = arith.addf %parallel_loop3A_254, %parallel_loop3A_259 : vector<16xf32>
        %parallel_loop3A_261 = vector.shape_cast %add3A_61 : vector<16xi32> to vector<16x1xi32>
        %parallel_loop3A_262 = vector.shape_cast %parallel_loop3A_261 : vector<16x1xi32> to vector<16xi32>
        %parallel_loop3A_263 = tpu.dynamic_gather %parallel_loop3A_260[%parallel_loop3A_262] in [0] : vector<16xf32>, vector<16xi32> -> vector<16xf32>
        %parallel_loop3A_264 = arith.constant 1 : i32
        %parallel_loop3A_265 = arith.addi %parallel_loop3A_231, %parallel_loop3A_264 : i32
        %parallel_loop3A_266 = arith.index_cast %parallel_loop3A_265 : i32 to index
        %parallel_loop3A_267 = arith.constant 0 : index
        %parallel_loop3A_268 = tpu.vector_load %arg11[%parallel_loop3A_266, %parallel_loop3A_267] {strides = array<i32>} : memref<384x16xf32, #tpu.memory_space<vmem>>, vector<16xf32>,
        %parallel_loop3A_269 = arith.constant 1 : i32
        %parallel_loop3A_270 = arith.addi %parallel_loop3A_231, %parallel_loop3A_269 : i32
        %parallel_loop3A_271 = arith.index_cast %parallel_loop3A_270 : i32 to index
        %parallel_loop3A_272 = arith.constant 0 : index
        %parallel_loop3A_273 = tpu.vector_load %arg13[%parallel_loop3A_271, %parallel_loop3A_272] {strides = array<i32>} : memref<384x16xf32, #tpu.memory_space<vmem>>, vector<16xf32>,
        %parallel_loop3A_274 = arith.mulf %parallel_loop3A_268, %parallel_loop3A_273 : vector<16xf32>
        %parallel_loop3A_275 = vector.shape_cast %max3A_30 : vector<16xi32> to vector<16x1xi32>
        %parallel_loop3A_276 = vector.shape_cast %parallel_loop3A_275 : vector<16x1xi32> to vector<16xi32>
        %parallel_loop3A_277 = tpu.dynamic_gather %parallel_loop3A_274[%parallel_loop3A_276] in [0] : vector<16xf32>, vector<16xi32> -> vector<16xf32>
        %parallel_loop3A_278 = vector.broadcast %scan3A : f32 to vector<16xf32>
        %parallel_loop3A_279 = arith.select %ge3A_46, %parallel_loop3A_277, %parallel_loop3A_278 : vector<16xi1>, vector<16xf32>
        %parallel_loop3A_280 = arith.addf %parallel_loop3A_274, %parallel_loop3A_279 : vector<16xf32>
        %parallel_loop3A_281 = vector.shape_cast %max3A_36 : vector<16xi32> to vector<16x1xi32>
        %parallel_loop3A_282 = vector.shape_cast %parallel_loop3A_281 : vector<16x1xi32> to vector<16xi32>
        %parallel_loop3A_283 = tpu.dynamic_gather %parallel_loop3A_280[%parallel_loop3A_282] in [0] : vector<16xf32>, vector<16xi32> -> vector<16xf32>
        %parallel_loop3A_284 = vector.broadcast %scan3A : f32 to vector<16xf32>
        %parallel_loop3A_285 = arith.select %ge3A_50, %parallel_loop3A_283, %parallel_loop3A_284 : vector<16xi1>, vector<16xf32>
        %parallel_loop3A_286 = arith.addf %parallel_loop3A_280, %parallel_loop3A_285 : vector<16xf32>
        %parallel_loop3A_287 = vector.shape_cast %max3A_42 : vector<16xi32> to vector<16x1xi32>
        %parallel_loop3A_288 = vector.shape_cast %parallel_loop3A_287 : vector<16x1xi32> to vector<16xi32>
        %parallel_loop3A_289 = tpu.dynamic_gather %parallel_loop3A_286[%parallel_loop3A_288] in [0] : vector<16xf32>, vector<16xi32> -> vector<16xf32>
        %parallel_loop3A_290 = vector.broadcast %scan3A : f32 to vector<16xf32>
        %parallel_loop3A_291 = arith.select %ge3A_54, %parallel_loop3A_289, %parallel_loop3A_290 : vector<16xi1>, vector<16xf32>
        %parallel_loop3A_292 = arith.addf %parallel_loop3A_286, %parallel_loop3A_291 : vector<16xf32>
        %parallel_loop3A_293 = vector.shape_cast %add3A_61 : vector<16xi32> to vector<16x1xi32>
        %parallel_loop3A_294 = vector.shape_cast %parallel_loop3A_293 : vector<16x1xi32> to vector<16xi32>
        %parallel_loop3A_295 = tpu.dynamic_gather %parallel_loop3A_292[%parallel_loop3A_294] in [0] : vector<16xf32>, vector<16xi32> -> vector<16xf32>
        %parallel_loop3A_296 = arith.constant 2 : i32
        %parallel_loop3A_297 = arith.addi %parallel_loop3A_231, %parallel_loop3A_296 : i32
        %parallel_loop3A_298 = arith.index_cast %parallel_loop3A_297 : i32 to index
        %parallel_loop3A_299 = arith.constant 0 : index
        %parallel_loop3A_300 = tpu.vector_load %arg11[%parallel_loop3A_298, %parallel_loop3A_299] {strides = array<i32>} : memref<384x16xf32, #tpu.memory_space<vmem>>, vector<16xf32>,
        %parallel_loop3A_301 = arith.constant 2 : i32
        %parallel_loop3A_302 = arith.addi %parallel_loop3A_231, %parallel_loop3A_301 : i32
        %parallel_loop3A_303 = arith.index_cast %parallel_loop3A_302 : i32 to index
        %parallel_loop3A_304 = arith.constant 0 : index
        %parallel_loop3A_305 = tpu.vector_load %arg13[%parallel_loop3A_303, %parallel_loop3A_304] {strides = array<i32>} : memref<384x16xf32, #tpu.memory_space<vmem>>, vector<16xf32>,
        %parallel_loop3A_306 = arith.mulf %parallel_loop3A_300, %parallel_loop3A_305 : vector<16xf32>
        %parallel_loop3A_307 = vector.shape_cast %max3A_30 : vector<16xi32> to vector<16x1xi32>
        %parallel_loop3A_308 = vector.shape_cast %parallel_loop3A_307 : vector<16x1xi32> to vector<16xi32>
        %parallel_loop3A_309 = tpu.dynamic_gather %parallel_loop3A_306[%parallel_loop3A_308] in [0] : vector<16xf32>, vector<16xi32> -> vector<16xf32>
        %parallel_loop3A_310 = vector.broadcast %scan3A : f32 to vector<16xf32>
        %parallel_loop3A_311 = arith.select %ge3A_46, %parallel_loop3A_309, %parallel_loop3A_310 : vector<16xi1>, vector<16xf32>
        %parallel_loop3A_312 = arith.addf %parallel_loop3A_306, %parallel_loop3A_311 : vector<16xf32>
        %parallel_loop3A_313 = vector.shape_cast %max3A_36 : vector<16xi32> to vector<16x1xi32>
        %parallel_loop3A_314 = vector.shape_cast %parallel_loop3A_313 : vector<16x1xi32> to vector<16xi32>
        %parallel_loop3A_315 = tpu.dynamic_gather %parallel_loop3A_312[%parallel_loop3A_314] in [0] : vector<16xf32>, vector<16xi32> -> vector<16xf32>
        %parallel_loop3A_316 = vector.broadcast %scan3A : f32 to vector<16xf32>
        %parallel_loop3A_317 = arith.select %ge3A_50, %parallel_loop3A_315, %parallel_loop3A_316 : vector<16xi1>, vector<16xf32>
        %parallel_loop3A_318 = arith.addf %parallel_loop3A_312, %parallel_loop3A_317 : vector<16xf32>
        %parallel_loop3A_319 = vector.shape_cast %max3A_42 : vector<16xi32> to vector<16x1xi32>
        %parallel_loop3A_320 = vector.shape_cast %parallel_loop3A_319 : vector<16x1xi32> to vector<16xi32>
        %parallel_loop3A_321 = tpu.dynamic_gather %parallel_loop3A_318[%parallel_loop3A_320] in [0] : vector<16xf32>, vector<16xi32> -> vector<16xf32>
        %parallel_loop3A_322 = vector.broadcast %scan3A : f32 to vector<16xf32>
        %parallel_loop3A_323 = arith.select %ge3A_54, %parallel_loop3A_321, %parallel_loop3A_322 : vector<16xi1>, vector<16xf32>
        %parallel_loop3A_324 = arith.addf %parallel_loop3A_318, %parallel_loop3A_323 : vector<16xf32>
        %parallel_loop3A_325 = vector.shape_cast %add3A_61 : vector<16xi32> to vector<16x1xi32>
        %parallel_loop3A_326 = vector.shape_cast %parallel_loop3A_325 : vector<16x1xi32> to vector<16xi32>
        %parallel_loop3A_327 = tpu.dynamic_gather %parallel_loop3A_324[%parallel_loop3A_326] in [0] : vector<16xf32>, vector<16xi32> -> vector<16xf32>
        %parallel_loop3A_328 = arith.constant 3 : i32
        %parallel_loop3A_329 = arith.addi %parallel_loop3A_231, %parallel_loop3A_328 : i32
        %parallel_loop3A_330 = arith.index_cast %parallel_loop3A_329 : i32 to index
        %parallel_loop3A_331 = arith.constant 0 : index
        %parallel_loop3A_332 = tpu.vector_load %arg11[%parallel_loop3A_330, %parallel_loop3A_331] {strides = array<i32>} : memref<384x16xf32, #tpu.memory_space<vmem>>, vector<16xf32>,
        %parallel_loop3A_333 = arith.constant 3 : i32
        %parallel_loop3A_334 = arith.addi %parallel_loop3A_231, %parallel_loop3A_333 : i32
        %parallel_loop3A_335 = arith.index_cast %parallel_loop3A_334 : i32 to index
        %parallel_loop3A_336 = arith.constant 0 : index
        %parallel_loop3A_337 = tpu.vector_load %arg13[%parallel_loop3A_335, %parallel_loop3A_336] {strides = array<i32>} : memref<384x16xf32, #tpu.memory_space<vmem>>, vector<16xf32>,
        %parallel_loop3A_338 = arith.mulf %parallel_loop3A_332, %parallel_loop3A_337 : vector<16xf32>
        %parallel_loop3A_339 = vector.shape_cast %max3A_30 : vector<16xi32> to vector<16x1xi32>
        %parallel_loop3A_340 = vector.shape_cast %parallel_loop3A_339 : vector<16x1xi32> to vector<16xi32>
        %parallel_loop3A_341 = tpu.dynamic_gather %parallel_loop3A_338[%parallel_loop3A_340] in [0] : vector<16xf32>, vector<16xi32> -> vector<16xf32>
        %parallel_loop3A_342 = vector.broadcast %scan3A : f32 to vector<16xf32>
        %parallel_loop3A_343 = arith.select %ge3A_46, %parallel_loop3A_341, %parallel_loop3A_342 : vector<16xi1>, vector<16xf32>
        %parallel_loop3A_344 = arith.addf %parallel_loop3A_338, %parallel_loop3A_343 : vector<16xf32>
        %parallel_loop3A_345 = vector.shape_cast %max3A_36 : vector<16xi32> to vector<16x1xi32>
        %parallel_loop3A_346 = vector.shape_cast %parallel_loop3A_345 : vector<16x1xi32> to vector<16xi32>
        %parallel_loop3A_347 = tpu.dynamic_gather %parallel_loop3A_344[%parallel_loop3A_346] in [0] : vector<16xf32>, vector<16xi32> -> vector<16xf32>
        %parallel_loop3A_348 = vector.broadcast %scan3A : f32 to vector<16xf32>
        %parallel_loop3A_349 = arith.select %ge3A_50, %parallel_loop3A_347, %parallel_loop3A_348 : vector<16xi1>, vector<16xf32>
        %parallel_loop3A_350 = arith.addf %parallel_loop3A_344, %parallel_loop3A_349 : vector<16xf32>
        %parallel_loop3A_351 = vector.shape_cast %max3A_42 : vector<16xi32> to vector<16x1xi32>
        %parallel_loop3A_352 = vector.shape_cast %parallel_loop3A_351 : vector<16x1xi32> to vector<16xi32>
        %parallel_loop3A_353 = tpu.dynamic_gather %parallel_loop3A_350[%parallel_loop3A_352] in [0] : vector<16xf32>, vector<16xi32> -> vector<16xf32>
        %parallel_loop3A_354 = vector.broadcast %scan3A : f32 to vector<16xf32>
        %parallel_loop3A_355 = arith.select %ge3A_54, %parallel_loop3A_353, %parallel_loop3A_354 : vector<16xi1>, vector<16xf32>
        %parallel_loop3A_356 = arith.addf %parallel_loop3A_350, %parallel_loop3A_355 : vector<16xf32>
        %parallel_loop3A_357 = vector.shape_cast %add3A_61 : vector<16xi32> to vector<16x1xi32>
        %parallel_loop3A_358 = vector.shape_cast %parallel_loop3A_357 : vector<16x1xi32> to vector<16xi32>
        %parallel_loop3A_359 = tpu.dynamic_gather %parallel_loop3A_356[%parallel_loop3A_358] in [0] : vector<16xf32>, vector<16xi32> -> vector<16xf32>
        %parallel_loop3A_360 = arith.constant 1 : i32
        %parallel_loop3A_361 = vector.broadcast %parallel_loop3A_360 : i32 to vector<16xi32>
        %parallel_loop3A_362 = arith.cmpi eq, %shift_right_arithmetic3A_63, %parallel_loop3A_361 : vector<16xi32>
        %parallel_loop3A_363 = arith.select %parallel_loop3A_362, %parallel_loop3A_295, %parallel_loop3A_263 : vector<16xi1>, vector<16xf32>
        %parallel_loop3A_364 = arith.constant 2 : i32
        %parallel_loop3A_365 = vector.broadcast %parallel_loop3A_364 : i32 to vector<16xi32>
        %parallel_loop3A_366 = arith.cmpi eq, %shift_right_arithmetic3A_63, %parallel_loop3A_365 : vector<16xi32>
        %parallel_loop3A_367 = arith.select %parallel_loop3A_366, %parallel_loop3A_327, %parallel_loop3A_363 : vector<16xi1>, vector<16xf32>
        %parallel_loop3A_368 = arith.constant 3 : i32
        %parallel_loop3A_369 = vector.broadcast %parallel_loop3A_368 : i32 to vector<16xi32>
        %parallel_loop3A_370 = arith.cmpi eq, %shift_right_arithmetic3A_63, %parallel_loop3A_369 : vector<16xi32>
        %parallel_loop3A_371 = arith.select %parallel_loop3A_370, %parallel_loop3A_359, %parallel_loop3A_367 : vector<16xi1>, vector<16xf32>
        %parallel_loop3A_372 = arith.constant 4 : i32
        %parallel_loop3A_373 = arith.muli %parallel_loop3A_231, %parallel_loop3A_372 : i32
        %parallel_loop3A_374 = arith.index_cast %parallel_loop3A_373 : i32 to index
        %parallel_loop3A_375 = tpu.vector_load %arg15[%parallel_loop3A_374] {strides = array<i32>} : memref<1536xf32, #tpu.memory_space<vmem>>, vector<16xf32>,
        tpu.vector_store %arg15[%parallel_loop3A_374], %parallel_loop3A_371 {strides = array<i32>} : memref<1536xf32, #tpu.memory_space<vmem>>, vector<16xf32>,
      } {sc.loop_unroll_factor = 2 : i64, sc.parallel_access}
      %mul3A_181 = arith.constant 384 : i32
      %mul3A_182 = arith.muli %add3A_149, %mul3A_181 : i32
      %add3A_183 = arith.addi %mul3A_4, %mul3A_182 : i32
      %mul3A_184 = arith.constant 4 : i32
      %mul3A_185 = arith.muli %add3A_183, %mul3A_184 : i32
      %dma_start3A_186 = tpu.memref_slice %arg5[%mul3A_185] : memref<12877824xf32, #tpu.memory_space<hbm>> -> memref<1536xf32, #tpu.memory_space<hbm>>
      %dma_start3A_187 = tpu.memref_slice %arg5[%mul3A_185] : memref<12877824xf32, #tpu.memory_space<hbm>> -> memref<1536xf32, #tpu.memory_space<hbm>>
      tpu.enqueue_dma source(%arg15 : memref<1536xf32, #tpu.memory_space<vmem>>) target(%dma_start3A_187 : memref<1536xf32, #tpu.memory_space<hbm>>) target_semaphore(%arg23 : memref<!tpu.dma_semaphore, #tpu.memory_space<semaphore_mem>>)
      %add3A_188 = arith.constant 1 : i32
      %add3A_189 = arith.addi %add3A_147, %add3A_188 : i32
      %dma_wait3A_190 = arith.constant 0 : i32
      %dma_wait3A_191 = arith.constant 0 : i32
      %dma_wait3A_192 = tpu.memref_slice %arg6[%dma_wait3A_190, %dma_wait3A_191] : memref<100000x16xf32, #tpu.memory_space<vmem_shared>> -> memref<384x16xf32, #tpu.memory_space<vmem_shared>>
      %dma_wait3A_193 = arith.constant 0 : i32
      %dma_wait3A_194 = arith.constant 0 : i32
      %dma_wait3A_195 = tpu.memref_slice %arg6[%dma_wait3A_193, %dma_wait3A_194] : memref<100000x16xf32, #tpu.memory_space<vmem_shared>> -> memref<384x16xf32, #tpu.memory_space<vmem_shared>>
      tpu.wait_dma2 semaphore(%arg20 : memref<!tpu.dma_semaphore, #tpu.memory_space<semaphore_mem>>) src(%dma_wait3A_195 : memref<384x16xf32, #tpu.memory_space<vmem_shared>>) dst(%arg12 : memref<384x16xf32, #tpu.memory_space<vmem>>)
      %dma_wait3A_196 = arith.constant 0 : i32
      %dma_wait3A_197 = arith.constant 0 : i32
      %dma_wait3A_198 = tpu.memref_slice %arg2[%dma_wait3A_196, %dma_wait3A_197] : memref<100000x16xf32, #tpu.memory_space<hbm>> -> memref<384x16xf32, #tpu.memory_space<hbm>>
      %dma_wait3A_199 = arith.constant 0 : i32
      %dma_wait3A_200 = arith.constant 0 : i32
      %dma_wait3A_201 = tpu.memref_slice %arg2[%dma_wait3A_199, %dma_wait3A_200] : memref<100000x16xf32, #tpu.memory_space<hbm>> -> memref<384x16xf32, #tpu.memory_space<hbm>>
      tpu.wait_dma2 semaphore(%arg22 : memref<!tpu.dma_semaphore, #tpu.memory_space<semaphore_mem>>) src(%dma_wait3A_201 : memref<384x16xf32, #tpu.memory_space<hbm>>) dst(%arg14 : memref<384x16xf32, #tpu.memory_space<vmem>>)
      %add3A_202 = arith.constant 2 : i32
      %add3A_203 = arith.addi %add3A_189, %add3A_202 : i32
      %lt3A_204 = arith.constant 262 : i32
      %lt3A_205 = arith.cmpi slt, %add3A_203, %lt3A_204 : i32
      %convert_element_type3A_206 = arith.extui %lt3A_205 : i1 to i32
      %cond3A_207 = arith.constant 0 : i32
      %cond3A_208 = arith.cmpi ne, %convert_element_type3A_206, %cond3A_207 : i32
      scf.if %cond3A_208 {
        %add3A_231 = arith.constant 2 : i32
        %add3A_232 = arith.addi %add3A_189, %add3A_231 : i32
        %mul3A_233 = arith.constant 384 : i32
        %mul3A_234 = arith.muli %add3A_232, %mul3A_233 : i32
        %add3A_235 = arith.addi %mul3A_4, %mul3A_234 : i32
        %dma_start3A_236 = tpu.memref_slice %arg3[%add3A_235] : memref<3219456xi32, #tpu.memory_space<hbm>> -> memref<384xi32, #tpu.memory_space<hbm>>
        %dma_start3A_237 = tpu.memref_slice %arg3[%add3A_235] : memref<3219456xi32, #tpu.memory_space<hbm>> -> memref<384xi32, #tpu.memory_space<hbm>>
        tpu.enqueue_dma source(%dma_start3A_237 : memref<384xi32, #tpu.memory_space<hbm>>) target(%arg8 : memref<384xi32, #tpu.memory_space<vmem>>) target_semaphore(%arg18 : memref<!tpu.dma_semaphore, #tpu.memory_space<semaphore_mem>>)
        %dma_start3A_238 = tpu.memref_slice %arg4[%add3A_235] : memref<3219456xi32, #tpu.memory_space<hbm>> -> memref<384xi32, #tpu.memory_space<hbm>>
        %dma_start3A_239 = tpu.memref_slice %arg4[%add3A_235] : memref<3219456xi32, #tpu.memory_space<hbm>> -> memref<384xi32, #tpu.memory_space<hbm>>
        tpu.enqueue_dma source(%dma_start3A_239 : memref<384xi32, #tpu.memory_space<hbm>>) target(%arg10 : memref<384xi32, #tpu.memory_space<vmem>>) target_semaphore(%arg18 : memref<!tpu.dma_semaphore, #tpu.memory_space<semaphore_mem>>)
      } else {
      }
      %add3A_209 = arith.constant 1 : i32
      %add3A_210 = arith.addi %add3A_189, %add3A_209 : i32
      %lt3A_211 = arith.constant 262 : i32
      %lt3A_212 = arith.cmpi slt, %add3A_210, %lt3A_211 : i32
      %convert_element_type3A_213 = arith.extui %lt3A_212 : i1 to i32
      %cond3A_214 = arith.constant 0 : i32
      %cond3A_215 = arith.cmpi ne, %convert_element_type3A_213, %cond3A_214 : i32
      scf.if %cond3A_215 {
        %dma_wait3A_231 = arith.constant 0 : i32
        %dma_wait3A_232 = tpu.memref_slice %arg3[%dma_wait3A_231] : memref<3219456xi32, #tpu.memory_space<hbm>> -> memref<384xi32, #tpu.memory_space<hbm>>
        %dma_wait3A_233 = arith.constant 0 : i32
        %dma_wait3A_234 = tpu.memref_slice %arg3[%dma_wait3A_233] : memref<3219456xi32, #tpu.memory_space<hbm>> -> memref<384xi32, #tpu.memory_space<hbm>>
        tpu.wait_dma2 semaphore(%arg17 : memref<!tpu.dma_semaphore, #tpu.memory_space<semaphore_mem>>) src(%dma_wait3A_234 : memref<384xi32, #tpu.memory_space<hbm>>) dst(%arg7 : memref<384xi32, #tpu.memory_space<vmem>>)
        %dma_wait3A_235 = arith.constant 0 : i32
        %dma_wait3A_236 = tpu.memref_slice %arg4[%dma_wait3A_235] : memref<3219456xi32, #tpu.memory_space<hbm>> -> memref<384xi32, #tpu.memory_space<hbm>>
        %dma_wait3A_237 = arith.constant 0 : i32
        %dma_wait3A_238 = tpu.memref_slice %arg4[%dma_wait3A_237] : memref<3219456xi32, #tpu.memory_space<hbm>> -> memref<384xi32, #tpu.memory_space<hbm>>
        tpu.wait_dma2 semaphore(%arg17 : memref<!tpu.dma_semaphore, #tpu.memory_space<semaphore_mem>>) src(%dma_wait3A_238 : memref<384xi32, #tpu.memory_space<hbm>>) dst(%arg9 : memref<384xi32, #tpu.memory_space<vmem>>)
        %dma_start3A_239 = arith.constant 0 : i32
        %dma_start3A_240 = arith.constant 0 : i32
        %dma_start3A_241 = tpu.memref_slice %arg11[%dma_start3A_239, %dma_start3A_240] : memref<384x16xf32, #tpu.memory_space<vmem>> -> memref<128x16xf32, #tpu.memory_space<vmem>>
        %dma_start3A_242 = arith.constant 0 : i32
        %dma_start3A_243 = tpu.memref_slice %arg7[%dma_start3A_242] : memref<384xi32, #tpu.memory_space<vmem>> -> memref<128xi32, #tpu.memory_space<vmem>>
        %dma_start3A_244 = arith.constant 0 : i32
        %dma_start3A_245 = arith.constant 0 : i32
        %dma_start3A_246 = tpu.memref_slice %arg6[%dma_start3A_244, %dma_start3A_245] : memref<100000x16xf32, #tpu.memory_space<vmem_shared>> -> memref<100000x16xf32, #tpu.memory_space<vmem_shared>>
        tpu.enqueue_indirect_dma source(%dma_start3A_246 : memref<100000x16xf32, #tpu.memory_space<vmem_shared>>) target(%dma_start3A_241 : memref<128x16xf32, #tpu.memory_space<vmem>>) offsets(%dma_start3A_243 : memref<128xi32, #tpu.memory_space<vmem>>) semaphore(%arg19 : memref<!tpu.dma_semaphore, #tpu.memory_space<semaphore_mem>>)
        %dma_start3A_247 = arith.constant 0 : i32
        %dma_start3A_248 = arith.constant 0 : i32
        %dma_start3A_249 = tpu.memref_slice %arg13[%dma_start3A_247, %dma_start3A_248] : memref<384x16xf32, #tpu.memory_space<vmem>> -> memref<128x16xf32, #tpu.memory_space<vmem>>
        %dma_start3A_250 = arith.constant 0 : i32
        %dma_start3A_251 = tpu.memref_slice %arg9[%dma_start3A_250] : memref<384xi32, #tpu.memory_space<vmem>> -> memref<128xi32, #tpu.memory_space<vmem>>
        %dma_start3A_252 = arith.constant 0 : i32
        %dma_start3A_253 = arith.constant 0 : i32
        %dma_start3A_254 = tpu.memref_slice %arg2[%dma_start3A_252, %dma_start3A_253] : memref<100000x16xf32, #tpu.memory_space<hbm>> -> memref<100000x16xf32, #tpu.memory_space<hbm>>
        tpu.enqueue_indirect_dma source(%dma_start3A_254 : memref<100000x16xf32, #tpu.memory_space<hbm>>) target(%dma_start3A_249 : memref<128x16xf32, #tpu.memory_space<vmem>>) offsets(%dma_start3A_251 : memref<128xi32, #tpu.memory_space<vmem>>) semaphore(%arg21 : memref<!tpu.dma_semaphore, #tpu.memory_space<semaphore_mem>>)
        %dma_start3A_255 = arith.constant 128 : i32
        %dma_start3A_256 = arith.constant 0 : i32
        %dma_start3A_257 = tpu.memref_slice %arg11[%dma_start3A_255, %dma_start3A_256] : memref<384x16xf32, #tpu.memory_space<vmem>> -> memref<128x16xf32, #tpu.memory_space<vmem>>
        %dma_start3A_258 = arith.constant 128 : i32
        %dma_start3A_259 = tpu.memref_slice %arg7[%dma_start3A_258] : memref<384xi32, #tpu.memory_space<vmem>> -> memref<128xi32, #tpu.memory_space<vmem>>
        %dma_start3A_260 = arith.constant 0 : i32
        %dma_start3A_261 = arith.constant 0 : i32
        %dma_start3A_262 = tpu.memref_slice %arg6[%dma_start3A_260, %dma_start3A_261] : memref<100000x16xf32, #tpu.memory_space<vmem_shared>> -> memref<100000x16xf32, #tpu.memory_space<vmem_shared>>
        tpu.enqueue_indirect_dma source(%dma_start3A_262 : memref<100000x16xf32, #tpu.memory_space<vmem_shared>>) target(%dma_start3A_257 : memref<128x16xf32, #tpu.memory_space<vmem>>) offsets(%dma_start3A_259 : memref<128xi32, #tpu.memory_space<vmem>>) semaphore(%arg19 : memref<!tpu.dma_semaphore, #tpu.memory_space<semaphore_mem>>)
        %dma_start3A_263 = arith.constant 128 : i32
        %dma_start3A_264 = arith.constant 0 : i32
        %dma_start3A_265 = tpu.memref_slice %arg13[%dma_start3A_263, %dma_start3A_264] : memref<384x16xf32, #tpu.memory_space<vmem>> -> memref<128x16xf32, #tpu.memory_space<vmem>>
        %dma_start3A_266 = arith.constant 128 : i32
        %dma_start3A_267 = tpu.memref_slice %arg9[%dma_start3A_266] : memref<384xi32, #tpu.memory_space<vmem>> -> memref<128xi32, #tpu.memory_space<vmem>>
        %dma_start3A_268 = arith.constant 0 : i32
        %dma_start3A_269 = arith.constant 0 : i32
        %dma_start3A_270 = tpu.memref_slice %arg2[%dma_start3A_268, %dma_start3A_269] : memref<100000x16xf32, #tpu.memory_space<hbm>> -> memref<100000x16xf32, #tpu.memory_space<hbm>>
        tpu.enqueue_indirect_dma source(%dma_start3A_270 : memref<100000x16xf32, #tpu.memory_space<hbm>>) target(%dma_start3A_265 : memref<128x16xf32, #tpu.memory_space<vmem>>) offsets(%dma_start3A_267 : memref<128xi32, #tpu.memory_space<vmem>>) semaphore(%arg21 : memref<!tpu.dma_semaphore, #tpu.memory_space<semaphore_mem>>)
        %dma_start3A_271 = arith.constant 256 : i32
        %dma_start3A_272 = arith.constant 0 : i32
        %dma_start3A_273 = tpu.memref_slice %arg11[%dma_start3A_271, %dma_start3A_272] : memref<384x16xf32, #tpu.memory_space<vmem>> -> memref<128x16xf32, #tpu.memory_space<vmem>>
        %dma_start3A_274 = arith.constant 256 : i32
        %dma_start3A_275 = tpu.memref_slice %arg7[%dma_start3A_274] : memref<384xi32, #tpu.memory_space<vmem>> -> memref<128xi32, #tpu.memory_space<vmem>>
        %dma_start3A_276 = arith.constant 0 : i32
        %dma_start3A_277 = arith.constant 0 : i32
        %dma_start3A_278 = tpu.memref_slice %arg6[%dma_start3A_276, %dma_start3A_277] : memref<100000x16xf32, #tpu.memory_space<vmem_shared>> -> memref<100000x16xf32, #tpu.memory_space<vmem_shared>>
        tpu.enqueue_indirect_dma source(%dma_start3A_278 : memref<100000x16xf32, #tpu.memory_space<vmem_shared>>) target(%dma_start3A_273 : memref<128x16xf32, #tpu.memory_space<vmem>>) offsets(%dma_start3A_275 : memref<128xi32, #tpu.memory_space<vmem>>) semaphore(%arg19 : memref<!tpu.dma_semaphore, #tpu.memory_space<semaphore_mem>>)
        %dma_start3A_279 = arith.constant 256 : i32
        %dma_start3A_280 = arith.constant 0 : i32
        %dma_start3A_281 = tpu.memref_slice %arg13[%dma_start3A_279, %dma_start3A_280] : memref<384x16xf32, #tpu.memory_space<vmem>> -> memref<128x16xf32, #tpu.memory_space<vmem>>
        %dma_start3A_282 = arith.constant 256 : i32
        %dma_start3A_283 = tpu.memref_slice %arg9[%dma_start3A_282] : memref<384xi32, #tpu.memory_space<vmem>> -> memref<128xi32, #tpu.memory_space<vmem>>
        %dma_start3A_284 = arith.constant 0 : i32
        %dma_start3A_285 = arith.constant 0 : i32
        %dma_start3A_286 = tpu.memref_slice %arg2[%dma_start3A_284, %dma_start3A_285] : memref<100000x16xf32, #tpu.memory_space<hbm>> -> memref<100000x16xf32, #tpu.memory_space<hbm>>
        tpu.enqueue_indirect_dma source(%dma_start3A_286 : memref<100000x16xf32, #tpu.memory_space<hbm>>) target(%dma_start3A_281 : memref<128x16xf32, #tpu.memory_space<vmem>>) offsets(%dma_start3A_283 : memref<128xi32, #tpu.memory_space<vmem>>) semaphore(%arg21 : memref<!tpu.dma_semaphore, #tpu.memory_space<semaphore_mem>>)
      } else {
      }
      %ge3A_216 = arith.constant 2 : i32
      %ge3A_217 = arith.cmpi sge, %add3A_189, %ge3A_216 : i32
      %convert_element_type3A_218 = arith.extui %ge3A_217 : i1 to i32
      %cond3A_219 = arith.constant 0 : i32
      %cond3A_220 = arith.cmpi ne, %convert_element_type3A_218, %cond3A_219 : i32
      scf.if %cond3A_220 {
        %dma_wait3A_231 = arith.constant 0 : i32
        %dma_wait3A_232 = tpu.memref_slice %arg5[%dma_wait3A_231] : memref<12877824xf32, #tpu.memory_space<hbm>> -> memref<1536xf32, #tpu.memory_space<hbm>>
        %dma_wait3A_233 = arith.constant 0 : i32
        %dma_wait3A_234 = tpu.memref_slice %arg5[%dma_wait3A_233] : memref<12877824xf32, #tpu.memory_space<hbm>> -> memref<1536xf32, #tpu.memory_space<hbm>>
        tpu.wait_dma2 semaphore(%arg24 : memref<!tpu.dma_semaphore, #tpu.memory_space<semaphore_mem>>) src(%arg16 : memref<1536xf32, #tpu.memory_space<vmem>>) dst(%dma_wait3A_234 : memref<1536xf32, #tpu.memory_space<hbm>>)
      } else {
      }
      %parallel_loop3A_221 = arith.constant 0 : i32
      %parallel_loop3A_222 = arith.constant 384 : i32
      %parallel_loop3A_223 = arith.constant 4 : i32
      scf.for %parallel_loop3A_231 = %parallel_loop3A_221 to %parallel_loop3A_222 step %parallel_loop3A_223  : i32 {
        %parallel_loop3A_232 = arith.constant 0 : i32
        %parallel_loop3A_233 = arith.addi %parallel_loop3A_231, %parallel_loop3A_232 : i32
        %parallel_loop3A_234 = arith.index_cast %parallel_loop3A_233 : i32 to index
        %parallel_loop3A_235 = arith.constant 0 : index
        %parallel_loop3A_236 = tpu.vector_load %arg12[%parallel_loop3A_234, %parallel_loop3A_235] {strides = array<i32>} : memref<384x16xf32, #tpu.memory_space<vmem>>, vector<16xf32>,
        %parallel_loop3A_237 = arith.constant 0 : i32
        %parallel_loop3A_238 = arith.addi %parallel_loop3A_231, %parallel_loop3A_237 : i32
        %parallel_loop3A_239 = arith.index_cast %parallel_loop3A_238 : i32 to index
        %parallel_loop3A_240 = arith.constant 0 : index
        %parallel_loop3A_241 = tpu.vector_load %arg14[%parallel_loop3A_239, %parallel_loop3A_240] {strides = array<i32>} : memref<384x16xf32, #tpu.memory_space<vmem>>, vector<16xf32>,
        %parallel_loop3A_242 = arith.mulf %parallel_loop3A_236, %parallel_loop3A_241 : vector<16xf32>
        %parallel_loop3A_243 = vector.shape_cast %max3A_30 : vector<16xi32> to vector<16x1xi32>
        %parallel_loop3A_244 = vector.shape_cast %parallel_loop3A_243 : vector<16x1xi32> to vector<16xi32>
        %parallel_loop3A_245 = tpu.dynamic_gather %parallel_loop3A_242[%parallel_loop3A_244] in [0] : vector<16xf32>, vector<16xi32> -> vector<16xf32>
        %parallel_loop3A_246 = vector.broadcast %scan3A : f32 to vector<16xf32>
        %parallel_loop3A_247 = arith.select %ge3A_46, %parallel_loop3A_245, %parallel_loop3A_246 : vector<16xi1>, vector<16xf32>
        %parallel_loop3A_248 = arith.addf %parallel_loop3A_242, %parallel_loop3A_247 : vector<16xf32>
        %parallel_loop3A_249 = vector.shape_cast %max3A_36 : vector<16xi32> to vector<16x1xi32>
        %parallel_loop3A_250 = vector.shape_cast %parallel_loop3A_249 : vector<16x1xi32> to vector<16xi32>
        %parallel_loop3A_251 = tpu.dynamic_gather %parallel_loop3A_248[%parallel_loop3A_250] in [0] : vector<16xf32>, vector<16xi32> -> vector<16xf32>
        %parallel_loop3A_252 = vector.broadcast %scan3A : f32 to vector<16xf32>
        %parallel_loop3A_253 = arith.select %ge3A_50, %parallel_loop3A_251, %parallel_loop3A_252 : vector<16xi1>, vector<16xf32>
        %parallel_loop3A_254 = arith.addf %parallel_loop3A_248, %parallel_loop3A_253 : vector<16xf32>
        %parallel_loop3A_255 = vector.shape_cast %max3A_42 : vector<16xi32> to vector<16x1xi32>
        %parallel_loop3A_256 = vector.shape_cast %parallel_loop3A_255 : vector<16x1xi32> to vector<16xi32>
        %parallel_loop3A_257 = tpu.dynamic_gather %parallel_loop3A_254[%parallel_loop3A_256] in [0] : vector<16xf32>, vector<16xi32> -> vector<16xf32>
        %parallel_loop3A_258 = vector.broadcast %scan3A : f32 to vector<16xf32>
        %parallel_loop3A_259 = arith.select %ge3A_54, %parallel_loop3A_257, %parallel_loop3A_258 : vector<16xi1>, vector<16xf32>
        %parallel_loop3A_260 = arith.addf %parallel_loop3A_254, %parallel_loop3A_259 : vector<16xf32>
        %parallel_loop3A_261 = vector.shape_cast %add3A_61 : vector<16xi32> to vector<16x1xi32>
        %parallel_loop3A_262 = vector.shape_cast %parallel_loop3A_261 : vector<16x1xi32> to vector<16xi32>
        %parallel_loop3A_263 = tpu.dynamic_gather %parallel_loop3A_260[%parallel_loop3A_262] in [0] : vector<16xf32>, vector<16xi32> -> vector<16xf32>
        %parallel_loop3A_264 = arith.constant 1 : i32
        %parallel_loop3A_265 = arith.addi %parallel_loop3A_231, %parallel_loop3A_264 : i32
        %parallel_loop3A_266 = arith.index_cast %parallel_loop3A_265 : i32 to index
        %parallel_loop3A_267 = arith.constant 0 : index
        %parallel_loop3A_268 = tpu.vector_load %arg12[%parallel_loop3A_266, %parallel_loop3A_267] {strides = array<i32>} : memref<384x16xf32, #tpu.memory_space<vmem>>, vector<16xf32>,
        %parallel_loop3A_269 = arith.constant 1 : i32
        %parallel_loop3A_270 = arith.addi %parallel_loop3A_231, %parallel_loop3A_269 : i32
        %parallel_loop3A_271 = arith.index_cast %parallel_loop3A_270 : i32 to index
        %parallel_loop3A_272 = arith.constant 0 : index
        %parallel_loop3A_273 = tpu.vector_load %arg14[%parallel_loop3A_271, %parallel_loop3A_272] {strides = array<i32>} : memref<384x16xf32, #tpu.memory_space<vmem>>, vector<16xf32>,
        %parallel_loop3A_274 = arith.mulf %parallel_loop3A_268, %parallel_loop3A_273 : vector<16xf32>
        %parallel_loop3A_275 = vector.shape_cast %max3A_30 : vector<16xi32> to vector<16x1xi32>
        %parallel_loop3A_276 = vector.shape_cast %parallel_loop3A_275 : vector<16x1xi32> to vector<16xi32>
        %parallel_loop3A_277 = tpu.dynamic_gather %parallel_loop3A_274[%parallel_loop3A_276] in [0] : vector<16xf32>, vector<16xi32> -> vector<16xf32>
        %parallel_loop3A_278 = vector.broadcast %scan3A : f32 to vector<16xf32>
        %parallel_loop3A_279 = arith.select %ge3A_46, %parallel_loop3A_277, %parallel_loop3A_278 : vector<16xi1>, vector<16xf32>
        %parallel_loop3A_280 = arith.addf %parallel_loop3A_274, %parallel_loop3A_279 : vector<16xf32>
        %parallel_loop3A_281 = vector.shape_cast %max3A_36 : vector<16xi32> to vector<16x1xi32>
        %parallel_loop3A_282 = vector.shape_cast %parallel_loop3A_281 : vector<16x1xi32> to vector<16xi32>
        %parallel_loop3A_283 = tpu.dynamic_gather %parallel_loop3A_280[%parallel_loop3A_282] in [0] : vector<16xf32>, vector<16xi32> -> vector<16xf32>
        %parallel_loop3A_284 = vector.broadcast %scan3A : f32 to vector<16xf32>
        %parallel_loop3A_285 = arith.select %ge3A_50, %parallel_loop3A_283, %parallel_loop3A_284 : vector<16xi1>, vector<16xf32>
        %parallel_loop3A_286 = arith.addf %parallel_loop3A_280, %parallel_loop3A_285 : vector<16xf32>
        %parallel_loop3A_287 = vector.shape_cast %max3A_42 : vector<16xi32> to vector<16x1xi32>
        %parallel_loop3A_288 = vector.shape_cast %parallel_loop3A_287 : vector<16x1xi32> to vector<16xi32>
        %parallel_loop3A_289 = tpu.dynamic_gather %parallel_loop3A_286[%parallel_loop3A_288] in [0] : vector<16xf32>, vector<16xi32> -> vector<16xf32>
        %parallel_loop3A_290 = vector.broadcast %scan3A : f32 to vector<16xf32>
        %parallel_loop3A_291 = arith.select %ge3A_54, %parallel_loop3A_289, %parallel_loop3A_290 : vector<16xi1>, vector<16xf32>
        %parallel_loop3A_292 = arith.addf %parallel_loop3A_286, %parallel_loop3A_291 : vector<16xf32>
        %parallel_loop3A_293 = vector.shape_cast %add3A_61 : vector<16xi32> to vector<16x1xi32>
        %parallel_loop3A_294 = vector.shape_cast %parallel_loop3A_293 : vector<16x1xi32> to vector<16xi32>
        %parallel_loop3A_295 = tpu.dynamic_gather %parallel_loop3A_292[%parallel_loop3A_294] in [0] : vector<16xf32>, vector<16xi32> -> vector<16xf32>
        %parallel_loop3A_296 = arith.constant 2 : i32
        %parallel_loop3A_297 = arith.addi %parallel_loop3A_231, %parallel_loop3A_296 : i32
        %parallel_loop3A_298 = arith.index_cast %parallel_loop3A_297 : i32 to index
        %parallel_loop3A_299 = arith.constant 0 : index
        %parallel_loop3A_300 = tpu.vector_load %arg12[%parallel_loop3A_298, %parallel_loop3A_299] {strides = array<i32>} : memref<384x16xf32, #tpu.memory_space<vmem>>, vector<16xf32>,
        %parallel_loop3A_301 = arith.constant 2 : i32
        %parallel_loop3A_302 = arith.addi %parallel_loop3A_231, %parallel_loop3A_301 : i32
        %parallel_loop3A_303 = arith.index_cast %parallel_loop3A_302 : i32 to index
        %parallel_loop3A_304 = arith.constant 0 : index
        %parallel_loop3A_305 = tpu.vector_load %arg14[%parallel_loop3A_303, %parallel_loop3A_304] {strides = array<i32>} : memref<384x16xf32, #tpu.memory_space<vmem>>, vector<16xf32>,
        %parallel_loop3A_306 = arith.mulf %parallel_loop3A_300, %parallel_loop3A_305 : vector<16xf32>
        %parallel_loop3A_307 = vector.shape_cast %max3A_30 : vector<16xi32> to vector<16x1xi32>
        %parallel_loop3A_308 = vector.shape_cast %parallel_loop3A_307 : vector<16x1xi32> to vector<16xi32>
        %parallel_loop3A_309 = tpu.dynamic_gather %parallel_loop3A_306[%parallel_loop3A_308] in [0] : vector<16xf32>, vector<16xi32> -> vector<16xf32>
        %parallel_loop3A_310 = vector.broadcast %scan3A : f32 to vector<16xf32>
        %parallel_loop3A_311 = arith.select %ge3A_46, %parallel_loop3A_309, %parallel_loop3A_310 : vector<16xi1>, vector<16xf32>
        %parallel_loop3A_312 = arith.addf %parallel_loop3A_306, %parallel_loop3A_311 : vector<16xf32>
        %parallel_loop3A_313 = vector.shape_cast %max3A_36 : vector<16xi32> to vector<16x1xi32>
        %parallel_loop3A_314 = vector.shape_cast %parallel_loop3A_313 : vector<16x1xi32> to vector<16xi32>
        %parallel_loop3A_315 = tpu.dynamic_gather %parallel_loop3A_312[%parallel_loop3A_314] in [0] : vector<16xf32>, vector<16xi32> -> vector<16xf32>
        %parallel_loop3A_316 = vector.broadcast %scan3A : f32 to vector<16xf32>
        %parallel_loop3A_317 = arith.select %ge3A_50, %parallel_loop3A_315, %parallel_loop3A_316 : vector<16xi1>, vector<16xf32>
        %parallel_loop3A_318 = arith.addf %parallel_loop3A_312, %parallel_loop3A_317 : vector<16xf32>
        %parallel_loop3A_319 = vector.shape_cast %max3A_42 : vector<16xi32> to vector<16x1xi32>
        %parallel_loop3A_320 = vector.shape_cast %parallel_loop3A_319 : vector<16x1xi32> to vector<16xi32>
        %parallel_loop3A_321 = tpu.dynamic_gather %parallel_loop3A_318[%parallel_loop3A_320] in [0] : vector<16xf32>, vector<16xi32> -> vector<16xf32>
        %parallel_loop3A_322 = vector.broadcast %scan3A : f32 to vector<16xf32>
        %parallel_loop3A_323 = arith.select %ge3A_54, %parallel_loop3A_321, %parallel_loop3A_322 : vector<16xi1>, vector<16xf32>
        %parallel_loop3A_324 = arith.addf %parallel_loop3A_318, %parallel_loop3A_323 : vector<16xf32>
        %parallel_loop3A_325 = vector.shape_cast %add3A_61 : vector<16xi32> to vector<16x1xi32>
        %parallel_loop3A_326 = vector.shape_cast %parallel_loop3A_325 : vector<16x1xi32> to vector<16xi32>
        %parallel_loop3A_327 = tpu.dynamic_gather %parallel_loop3A_324[%parallel_loop3A_326] in [0] : vector<16xf32>, vector<16xi32> -> vector<16xf32>
        %parallel_loop3A_328 = arith.constant 3 : i32
        %parallel_loop3A_329 = arith.addi %parallel_loop3A_231, %parallel_loop3A_328 : i32
        %parallel_loop3A_330 = arith.index_cast %parallel_loop3A_329 : i32 to index
        %parallel_loop3A_331 = arith.constant 0 : index
        %parallel_loop3A_332 = tpu.vector_load %arg12[%parallel_loop3A_330, %parallel_loop3A_331] {strides = array<i32>} : memref<384x16xf32, #tpu.memory_space<vmem>>, vector<16xf32>,
        %parallel_loop3A_333 = arith.constant 3 : i32
        %parallel_loop3A_334 = arith.addi %parallel_loop3A_231, %parallel_loop3A_333 : i32
        %parallel_loop3A_335 = arith.index_cast %parallel_loop3A_334 : i32 to index
        %parallel_loop3A_336 = arith.constant 0 : index
        %parallel_loop3A_337 = tpu.vector_load %arg14[%parallel_loop3A_335, %parallel_loop3A_336] {strides = array<i32>} : memref<384x16xf32, #tpu.memory_space<vmem>>, vector<16xf32>,
        %parallel_loop3A_338 = arith.mulf %parallel_loop3A_332, %parallel_loop3A_337 : vector<16xf32>
        %parallel_loop3A_339 = vector.shape_cast %max3A_30 : vector<16xi32> to vector<16x1xi32>
        %parallel_loop3A_340 = vector.shape_cast %parallel_loop3A_339 : vector<16x1xi32> to vector<16xi32>
        %parallel_loop3A_341 = tpu.dynamic_gather %parallel_loop3A_338[%parallel_loop3A_340] in [0] : vector<16xf32>, vector<16xi32> -> vector<16xf32>
        %parallel_loop3A_342 = vector.broadcast %scan3A : f32 to vector<16xf32>
        %parallel_loop3A_343 = arith.select %ge3A_46, %parallel_loop3A_341, %parallel_loop3A_342 : vector<16xi1>, vector<16xf32>
        %parallel_loop3A_344 = arith.addf %parallel_loop3A_338, %parallel_loop3A_343 : vector<16xf32>
        %parallel_loop3A_345 = vector.shape_cast %max3A_36 : vector<16xi32> to vector<16x1xi32>
        %parallel_loop3A_346 = vector.shape_cast %parallel_loop3A_345 : vector<16x1xi32> to vector<16xi32>
        %parallel_loop3A_347 = tpu.dynamic_gather %parallel_loop3A_344[%parallel_loop3A_346] in [0] : vector<16xf32>, vector<16xi32> -> vector<16xf32>
        %parallel_loop3A_348 = vector.broadcast %scan3A : f32 to vector<16xf32>
        %parallel_loop3A_349 = arith.select %ge3A_50, %parallel_loop3A_347, %parallel_loop3A_348 : vector<16xi1>, vector<16xf32>
        %parallel_loop3A_350 = arith.addf %parallel_loop3A_344, %parallel_loop3A_349 : vector<16xf32>
        %parallel_loop3A_351 = vector.shape_cast %max3A_42 : vector<16xi32> to vector<16x1xi32>
        %parallel_loop3A_352 = vector.shape_cast %parallel_loop3A_351 : vector<16x1xi32> to vector<16xi32>
        %parallel_loop3A_353 = tpu.dynamic_gather %parallel_loop3A_350[%parallel_loop3A_352] in [0] : vector<16xf32>, vector<16xi32> -> vector<16xf32>
        %parallel_loop3A_354 = vector.broadcast %scan3A : f32 to vector<16xf32>
        %parallel_loop3A_355 = arith.select %ge3A_54, %parallel_loop3A_353, %parallel_loop3A_354 : vector<16xi1>, vector<16xf32>
        %parallel_loop3A_356 = arith.addf %parallel_loop3A_350, %parallel_loop3A_355 : vector<16xf32>
        %parallel_loop3A_357 = vector.shape_cast %add3A_61 : vector<16xi32> to vector<16x1xi32>
        %parallel_loop3A_358 = vector.shape_cast %parallel_loop3A_357 : vector<16x1xi32> to vector<16xi32>
        %parallel_loop3A_359 = tpu.dynamic_gather %parallel_loop3A_356[%parallel_loop3A_358] in [0] : vector<16xf32>, vector<16xi32> -> vector<16xf32>
        %parallel_loop3A_360 = arith.constant 1 : i32
        %parallel_loop3A_361 = vector.broadcast %parallel_loop3A_360 : i32 to vector<16xi32>
        %parallel_loop3A_362 = arith.cmpi eq, %shift_right_arithmetic3A_63, %parallel_loop3A_361 : vector<16xi32>
        %parallel_loop3A_363 = arith.select %parallel_loop3A_362, %parallel_loop3A_295, %parallel_loop3A_263 : vector<16xi1>, vector<16xf32>
        %parallel_loop3A_364 = arith.constant 2 : i32
        %parallel_loop3A_365 = vector.broadcast %parallel_loop3A_364 : i32 to vector<16xi32>
        %parallel_loop3A_366 = arith.cmpi eq, %shift_right_arithmetic3A_63, %parallel_loop3A_365 : vector<16xi32>
        %parallel_loop3A_367 = arith.select %parallel_loop3A_366, %parallel_loop3A_327, %parallel_loop3A_363 : vector<16xi1>, vector<16xf32>
        %parallel_loop3A_368 = arith.constant 3 : i32
        %parallel_loop3A_369 = vector.broadcast %parallel_loop3A_368 : i32 to vector<16xi32>
        %parallel_loop3A_370 = arith.cmpi eq, %shift_right_arithmetic3A_63, %parallel_loop3A_369 : vector<16xi32>
        %parallel_loop3A_371 = arith.select %parallel_loop3A_370, %parallel_loop3A_359, %parallel_loop3A_367 : vector<16xi1>, vector<16xf32>
        %parallel_loop3A_372 = arith.constant 4 : i32
        %parallel_loop3A_373 = arith.muli %parallel_loop3A_231, %parallel_loop3A_372 : i32
        %parallel_loop3A_374 = arith.index_cast %parallel_loop3A_373 : i32 to index
        %parallel_loop3A_375 = tpu.vector_load %arg16[%parallel_loop3A_374] {strides = array<i32>} : memref<1536xf32, #tpu.memory_space<vmem>>, vector<16xf32>,
        tpu.vector_store %arg16[%parallel_loop3A_374], %parallel_loop3A_371 {strides = array<i32>} : memref<1536xf32, #tpu.memory_space<vmem>>, vector<16xf32>,
      } {sc.loop_unroll_factor = 2 : i64, sc.parallel_access}
      %mul3A_224 = arith.constant 384 : i32
      %mul3A_225 = arith.muli %add3A_189, %mul3A_224 : i32
      %add3A_226 = arith.addi %mul3A_4, %mul3A_225 : i32
      %mul3A_227 = arith.constant 4 : i32
      %mul3A_228 = arith.muli %add3A_226, %mul3A_227 : i32
      %dma_start3A_229 = tpu.memref_slice %arg5[%mul3A_228] : memref<12877824xf32, #tpu.memory_space<hbm>> -> memref<1536xf32, #tpu.memory_space<hbm>>
      %dma_start3A_230 = tpu.memref_slice %arg5[%mul3A_228] : memref<12877824xf32, #tpu.memory_space<hbm>> -> memref<1536xf32, #tpu.memory_space<hbm>>
      tpu.enqueue_dma source(%arg16 : memref<1536xf32, #tpu.memory_space<vmem>>) target(%dma_start3A_230 : memref<1536xf32, #tpu.memory_space<hbm>>) target_semaphore(%arg24 : memref<!tpu.dma_semaphore, #tpu.memory_space<semaphore_mem>>)
    }
    %scan3A_134 = arith.constant 131 : i32
    %dma_wait3A_135 = arith.constant 0 : i32
    %dma_wait3A_136 = tpu.memref_slice %arg5[%dma_wait3A_135] : memref<12877824xf32, #tpu.memory_space<hbm>> -> memref<1536xf32, #tpu.memory_space<hbm>>
    %dma_wait3A_137 = arith.constant 0 : i32
    %dma_wait3A_138 = tpu.memref_slice %arg5[%dma_wait3A_137] : memref<12877824xf32, #tpu.memory_space<hbm>> -> memref<1536xf32, #tpu.memory_space<hbm>>
    tpu.wait_dma2 semaphore(%arg23 : memref<!tpu.dma_semaphore, #tpu.memory_space<semaphore_mem>>) src(%arg15 : memref<1536xf32, #tpu.memory_space<vmem>>) dst(%dma_wait3A_138 : memref<1536xf32, #tpu.memory_space<hbm>>)
    %dma_wait3A_139 = arith.constant 0 : i32
    %dma_wait3A_140 = tpu.memref_slice %arg5[%dma_wait3A_139] : memref<12877824xf32, #tpu.memory_space<hbm>> -> memref<1536xf32, #tpu.memory_space<hbm>>
    %dma_wait3A_141 = arith.constant 0 : i32
    %dma_wait3A_142 = tpu.memref_slice %arg5[%dma_wait3A_141] : memref<12877824xf32, #tpu.memory_space<hbm>> -> memref<1536xf32, #tpu.memory_space<hbm>>
    tpu.wait_dma2 semaphore(%arg24 : memref<!tpu.dma_semaphore, #tpu.memory_space<semaphore_mem>>) src(%arg16 : memref<1536xf32, #tpu.memory_space<vmem>>) dst(%dma_wait3A_142 : memref<1536xf32, #tpu.memory_space<hbm>>)
    return
  }
}

</mosaic_0001>

<sc_bundles>
// kernel: _sc_call.3.cloned.1.call-start
scs
__scs_entry_jumppad:
0x0: {  	(pc) =	sbr.rel $0x88, $3  }
0x1: {  	(tag) =	ssettag $0x0;
	lr =	simm.s32 $0x1  }
0x2: {  	[smem:$0x3F9E] =	sst lr;
	_ =	strace $0xD0000000  }
0x3: {  	_ = 	snop  }
0x4: {  	_ = 	snop  }
0x5: {  	_ = 	snop  }
0x6: {  	_ = 	snop  }
0x7: {  	_ = 	snop  }
__scs_overlays_trampoline_lowered:
0x8: {  	[smem:$0x3FAD] =	sst s0  }
0x9: {  	[smem:$0x3FAE] =	sst s1  }
0xa: {  	[smem:$0x3FAF] =	sst s2  }
0xb: {  	[smem:$0x3FB0] =	sst s3  }
0xc: {  	[smem:$0x3FB1] =	sst s4  }
0xd: {  	[smem:$0x3FB2] =	sst s5  }
0xe: {  	[smem:$0x3FB3] =	sst s6  }
0xf: {  	[smem:$0x3FB4] =	sst s7  }
0x10: {  	[smem:$0x3FB5] =	sst s8  }
0x11: {  	[smem:$0x3FB6] =	sst s9;
	s0 =	simm.s32 @!p0 $0x0  }
0x12: {  	s1 =	sld [smem:$0x3F9C];
	s0 =	simm.s32 @p0 $0x1  }
0x13: {  	[smem:$0x3FB7] =	sst s0;
	s0 =	simm.s32 @!p1 $0x0  }
0x14: {  	s2 =	sld [smem:$0x3F9B];
	s0 =	simm.s32 @p1 $0x1  }
0x15: {  	[smem:$0x3FB8] =	sst s0;
	s0 =	simm.s32 @!p2 $0x0  }
0x16: {  	s3 =	sld [smem:$0x3FDB];
	s0 =	simm.s32 @p2 $0x1  }
0x17: {  	s4 =	simm.s32 $0x1BF5;
	[smem:$0x3FBA] =	sst s0  }
0x18: {  	s0 =	sld [smem:$0x3F9D];
	_ =	swait.ge [sflag:s4], $0x0  }
0x19: {  	s7 =	sld [smem:$0x3F9E]  }
0x1a: {  	s8 =	sadd.s32 $0xFFFFE003, lr  }
0x1b: {  	s9 =	sadd.s32 $0xFFFFFEF7, lr;
	s5 =	simm.s32 $0xFFFFFFFF;
	p2 =	slt.u32 s8, $0xFFFFF086  }
0x1c: {  	p1 =	slt.u32 s9, $0xF7A;
	s5 =	simm.s32 @!p2 $0x0  }
0x1d: {  	s5 =	simm.s32 @p1 $0x1;
	p0 =	seq.s32 s7, s2  }
0x1e: {  	s7 =	smul.u32 @!p0 $0xF7A, s2;
	p2 =	seq.s32 @!p0 s5, $0x0  }
0x1f: {  	s9 =	smul.u32 $0xF7A, s1;
	s8 =	simm.s32 @!p0 $0x1BF5;
	p2 =	por !p2, p0  }
0x20: {  	[sflag:s8] =	ssyncset.s32 @!p0 $0xFFFFF086;
	s6 =	sadd.s32 @!p0 s3, s7;
	s7 =	simm.s32 @!p0 $0x108  }
0x21: {  	s3 =	sadd.s32 s3, s9;
	s6 =	sadd.s32 @!p0 $0x88, s6;
	s7 =	simm.s32 @p2 $0x1082  }
0x22: {  	[simem:s7], [sflag:s8] =	dma.local @!p0 [hbm:s6], $0xF7A  }
0x23: {  	s9 =	sor.u32 $0xD0000000, s2;
	s6 =	simm.s32 $0x108;
	_ =	swait.ge @!p0 [sflag:s8], $0x0  }
0x24: {  	s3 =	sadd.s32 $0x88, s3;
	s6 =	simm.s32 @!p1 $0x1082;
	[sflag:s4] =	ssyncset.s32 $0xFFFFF086  }
0x25: {  	[simem:s6], [sflag:s4] =	dma.local [hbm:s3], $0xF7A  }
0x26: {  	[smem:$0x3F9E] =	sst s1;
	(tag) =	ssettag s2;
	_ =	strace s9  }
0x27: {  	s1 =	sld [smem:$0x3FAE]  }
0x28: {  	s2 =	sld [smem:$0x3FAF]  }
0x29: {  	s4 =	sld [smem:$0x3FB1]  }
0x2a: {  	p0 =	seq.s32 s5, $0x0;
	s5 =	sld [smem:$0x3FB2]  }
0x2b: {  	s6 =	sld [smem:$0x3FB3]  }
0x2c: {  	s7 =	sld [smem:$0x3FB4]  }
0x2d: {  	s3 =	simm.s32 $0x108;
	s8 =	sld [smem:$0x3FB5]  }
0x2e: {  	s3 =	simm.s32 @!p0 $0x1082;
	s9 =	sld [smem:$0x3FB6]  }
0x2f: {  	lr =	sadd.s32 s0, s3;
	s0 =	sld [smem:$0x3FAD]  }
0x30: {  	s3 =	sld [smem:$0x3FB0]  }
0x31: {  	[smem:$0x3FB9] =	sst s10  }
0x32: {  	s10 =	sld [smem:$0x3FB7];
	_ =	sdelay $0x3  }
0x33: {  	p0 =	seq.s32 s10, $0x1;
	s10 =	sld [smem:$0x3FB9];
	_ =	sdelay $0x3  }
0x34: {  	[smem:$0x3FB9] =	sst s10  }
0x35: {  	s10 =	sld [smem:$0x3FB8];
	_ =	sdelay $0x3  }
0x36: {  	p1 =	seq.s32 s10, $0x1;
	s10 =	sld [smem:$0x3FB9];
	_ =	sdelay $0x3  }
0x37: {  	[smem:$0x3FB9] =	sst s10  }
0x38: {  	s10 =	sld [smem:$0x3FBA]  }
0x39: {  	_ = 	snop;
	(pc) =	sbr.ind lr, $3  }
0x3a: {  	_ = 	snop  }
0x3b: {  	_ = 	snop  }
0x3c: {  	p2 =	seq.s32 s10, $0x1;
	s10 =	sld [smem:$0x3FB9]  }
0x3d: {  	_ =	shalt  }
0x3e: {  	_ =	shalt  }
0x3f: {  	_ =	shalt  }
0x40: {  	_ =	shalt  }
0x41: {  	_ =	shalt  }
0x42: {  	_ =	shalt  }
0x43: {  	_ =	shalt  }
0x44: {  	_ =	shalt  }
0x45: {  	_ =	shalt  }
0x46: {  	_ =	shalt  }
0x47: {  	_ =	shalt  }
0x48: {  	_ =	shalt  }
0x49: {  	_ =	shalt  }
0x4a: {  	_ =	shalt  }
0x4b: {  	_ =	shalt  }
0x4c: {  	_ =	shalt  }
0x4d: {  	_ =	shalt  }
0x4e: {  	_ =	shalt  }
0x4f: {  	_ =	shalt  }
0x50: {  	_ =	shalt  }
0x51: {  	_ =	shalt  }
0x52: {  	_ =	shalt  }
0x53: {  	_ =	shalt  }
0x54: {  	_ =	shalt  }
0x55: {  	_ =	shalt  }
0x56: {  	_ =	shalt  }
0x57: {  	_ =	shalt  }
0x58: {  	_ =	shalt  }
0x59: {  	_ =	shalt  }
0x5a: {  	_ =	shalt  }
0x5b: {  	_ =	shalt  }
0x5c: {  	_ =	shalt  }
0x5d: {  	_ =	shalt  }
0x5e: {  	_ =	shalt  }
0x5f: {  	_ =	shalt  }
0x60: {  	_ =	shalt  }
0x61: {  	_ =	shalt  }
0x62: {  	_ =	shalt  }
0x63: {  	_ =	shalt  }
0x64: {  	_ =	shalt  }
0x65: {  	_ =	shalt  }
0x66: {  	_ =	shalt  }
0x67: {  	_ =	shalt  }
0x68: {  	_ =	shalt  }
0x69: {  	_ =	shalt  }
0x6a: {  	_ =	shalt  }
0x6b: {  	_ =	shalt  }
0x6c: {  	_ =	shalt  }
0x6d: {  	_ =	shalt  }
0x6e: {  	_ =	shalt  }
0x6f: {  	_ =	shalt  }
0x70: {  	_ =	shalt  }
0x71: {  	_ =	shalt  }
0x72: {  	_ =	shalt  }
0x73: {  	_ =	shalt  }
0x74: {  	_ =	shalt  }
0x75: {  	_ =	shalt  }
0x76: {  	_ =	shalt  }
0x77: {  	_ =	shalt  }
0x78: {  	_ =	shalt  }
0x79: {  	_ =	shalt  }
0x7a: {  	_ =	shalt  }
0x7b: {  	_ =	shalt  }
0x7c: {  	_ =	shalt  }
0x7d: {  	_ =	shalt  }
0x7e: {  	_ =	shalt  }
0x7f: {  	_ =	shalt  }
0x80: {  	_ =	shalt  }
0x81: {  	_ =	shalt  }
0x82: {  	_ =	shalt  }
0x83: {  	_ =	shalt  }
0x84: {  	_ =	shalt  }
0x85: {  	_ =	shalt  }
0x86: {  	_ =	shalt  }
0x87: {  	_ =	shalt  }
.Lfunc_end0:
.L_simem_size_0:
called_computation_lowered:
.L_overlay_start_0:
0x88: {  	s2 =	sld [smem:$0x3FD9]  }
0x89: {  	s3 =	sld [smem:$0x3FFE];
	_ =	sdelay $0x1  }
0x8a: {  	s1 =	srdreg.scid  }
0x8b: {  	s0 =	sand.u32 $0x1, s1  }
0x8c: {  	s17 =	sshll.u32 s0, $0xA;
	s2 =	sadd.s32 s3, s2  }
0x8d: {  	s2 =	sadd.s32 s2, s17  }
0x8e: {  	[smem:$0x3FC5] =	sst s2  }
0x8f: {  	_ = 	snop  }
0x90: {  	s2 =	sld [smem:$0x3FC8]  }
0x91: {  	s18 =	sld [smem:$0x3FC7]  }
0x92: {  	s4 =	sld [smem:$0x3FD0];
	(tm) =	ssettm $0x1  }
0x93: {  	s5 =	sld [smem:$0x3FFB];
	_ =	sdelay $0x3  }
0x94: {  	_ =	strace s5  }
0x95: {  	s5 =	sld [smem:$0x3FFC];
	_ =	sdelay $0x3  }
0x96: {  	_ =	strace s5  }
0x97: {  	s5 =	sld [smem:$0x3FFD];
	_ =	sdelay $0x3  }
0x98: {  	_ =	strace s5  }
0x99: {  	_ =	strace $0x8FFFFFFF  }
0x9a: {  	s19 =	sld [smem:$0x3FDB];
	_ =	sdelay $0x1  }
0x9b: {  	s6 =	simm.s32 $_scs_section_size  }
0x9c: {  	s7 =	simm.s32 $_size__tile_overlayer_lowered;
	s8 =	simm.s32 $_tile_overlayer_lowered  }
0x9d: {  	s22 =	simm.s32 $0x1BFF;
	s21 =	sshll.u32 s8, $0x1;
	s5 =	sadd.s32 s6, s19  }
0x9e: {  	s9 =	simm.s32 $0x0;
	s20 =	sshll.u32 s7, $0x1;
	s7 =	sadd.s32 s21, s5  }
0x9f: {  	[timem:s9], [sflag:s22] =	dma.local [hbm:s7], s20  }
0xa0: {  	_ =	swait.ge [sflag:s22], s20  }
0xa1: {  	s6 =	ssub.s32 $0x0, s20;
	[sflag:s22] =	ssyncset.done $0x0  }
0xa2: {  	[sflag:s22] =	ssyncadd.s32 s6;
	_ =	sdelay $0x1  }
0xa3: {  	s23 =	simm.s32 $0x1B8B  }
0xa4: {  	_ =	swait.ge [sflag:s23], $0x1  }
0xa5: {  	[sflag:s23] =	ssyncset.done $0x0  }
0xa6: {  	s25 =	simm.s32 $0x1B8E;
	s24 =	sld [smem:$0x3FFE];
	[sflag:s23] =	ssyncadd.s32 $0xFFFFFFFF  }
0xa7: {  	s26 =	simm.s32 $execute0_lowered;
	[smem:$0x3FD2] =	sst s25  }
0xa8: {  	s7 =	sshll.u32 s26, $0x1;
	_ =	strace $0x80000046;
	[dreg:$0x1] =	wrdreg $0xFFFFFFFF  }
0xa9: {  	s28 =	simm.s32 $_size_execute0_lowered;
	s5 =	sadd.s32 s5, s7;
	[dreg:$0x0] =	wrdreg $0x0  }
0xaa: {  	s7 =	sshll.u32 s28, $0x1;
	[dreg:$0x2] =	wrdreg s5  }
0xab: {  	[dreg:$0x3] =	wrdreg s7  }
0xac: {  	[dreg:$0x4] =	wrdreg $0xC0  }
0xad: {  	_ =	task [dreg:s9], $0x5FFFF  }
0xae: {  	[dreg:$0x1] =	wrdreg $0xFFFFFFFF  }
0xaf: {  	[dreg:$0x0] =	wrdreg $0x60  }
0xb0: {  	[dreg:$0x2] =	wrdreg s24  }
0xb1: {  	[dreg:$0x3] =	wrdreg s2  }
0xb2: {  	[dreg:$0x4] =	wrdreg s18  }
0xb3: {  	[dreg:$0x5] =	wrdreg s4  }
0xb4: {  	[dreg:$0x6] =	wrdreg $0x0  }
0xb5: {  	[dreg:$0x7] =	wrdreg $0x9  }
0xb6: {  	_ =	task.clear_ibuf [dreg:s9], $0x8FFFF;
	_ =	strace $0x90000046  }
0xb7: {  	s29 =	simm.s32 $0x9;
	_ =	strace $0x80000048  }
0xb8: {  	_ =	swait.ge [sflag:s29], $0x1  }
0xb9: {  	[sflag:s29] =	ssyncadd.s32 $0xFFFFFFFF  }
0xba: {  	_ =	strace $0x90000048  }
0xbb: {  	_ =	sfence  }
0xbc: {  	s30 =	sld [smem:$0x0];
	_ =	sdelay $0x2  }
0xbd: {  	s31 =	sshll.u32 s1, $0xD;
	s1 =	sshrl.u32 s1, $0x2  }
0xbe: {  	s3 =	sand.u32 $0x4000, s31;
	s1 =	sadd.s32 s1, s30  }
0xbf: {  	s0 =	sor.u32 s3, s0;
	s1 =	sshll.u32 s1, $0x11  }
0xc0: {  	s0 =	sor.u32 s1, s0  }
0xc1: {  	s0 =	sadd.s32 $0x8F2B, s0  }
0xc2: {  	[sflag:s0] =	ssyncadd.remote.s32 $0x1  }
0xc3: {  	_ =	sfence.sel $0xFFFF  }
0xc4: {  	[dreg:$0x0] =	wrdreg $0xFFFFFFFF;
	(pc) =	sbr.abs _section_cstart, $3  }
0xc5: {  	[dreg:$0x1] =	wrdreg $0xFFFFFFFF  }
0xc6: {  	_ =	task.clear_ibuf [dreg:s9], $0x2FFFF;
	_ =	strace $0x9FFFFFFF  }
0xc7: {  	(tm) =	ssettm $0x7FFFFFFF  }
tec
execute0_lowered:
.L_overlay_start_1:
0x0: {  	(tag) =	ssettag $0x1  }
0x1: {  	s0 =	rddreg [dreg:$0x0]  }
0x2: {  	s1 =	rddreg [dreg:$0x1]  }
0x3: {  	s2 =	rddreg [dreg:$0x2]  }
0x4: {  	s3 =	rddreg [dreg:$0x3]  }
0x5: {  	s4 =	rddreg [dreg:$0x4];
	s6 =	simm.s32 $0x0;
	s5 =	srdreg.scid  }
0x6: {  	s11 =	stileid.u32;
	s28 =	simm.s32 $0x2;
	s13 =	simm.s32 $0x1B4A0  }
0x7: {  	s14 =	simm.s32 $0x1E4A0;
	s15 =	simm.s32 $0x1ECA0;
	s18 =	simm.s32 $0x4  }
0x8: {  	v0 =	vimm.s32 $0xEDCBA987;
	s19 =	simm.s32 $0x6;
	s20 =	simm.s32 $0x1F2A0;
	[smem:$0x7FF] =	sst s6  }
0x9: {  	v1 =	vimm.s32 $0x65432100;
	v2 =	vimm.s32 $0xDCBA9876;
	s5 =	sand.u32 $0x1, s5;
	s7 =	sshll.u32 s11, $0x1;
	s10 =	smul.u32 $0x186A0, s11  }
0xa: {  	v3 =	vimm.s32 $0x54321000;
	vm0 =	vcmask $0x1310;
	s24 =	sshll.u32 s11, $0x6;
	v0 =	vunpack.c.l.s4.s8 v0;
	s11 =	simm.s32 $0x0;
	_ =	strace $0x80000047  }
0xb: {  	vm1 =	vcmask $0x700;
	v1 =	vunpack.c.l.s4.s8 v1;
	v2 =	vunpack.c.l.s4.s8 v2;
	s9 =	ssub.s32 $0x2, s5;
	s5 =	sor.u32 s5, s7;
	s7 =	sadd.s32 $0x400, s0  }
0xc: {  	vm2 =	vcmask $0x1710;
	v3 =	vunpack.c.l.s4.s8 v3;
	s21 =	sshrl.u32 s9, $0x1;
	s8 =	smul.u32 $0x18900, s5;
	s22 =	sadd.s32 s10, s4;
	v0 =	vunpack.c.0.s8.s32 v0  }
0xd: {  	vm3 =	vcmask $0xB00;
	s23 =	sshrl.u32 s10, $0x3;
	v1 =	vunpack.c.0.s8.s32 v1;
	v2 =	vunpack.c.0.s8.s32 v2;
	s5 =	simm.s32 $0x5;
	s0 =	ssub.s32 s9, s21  }
0xe: {  	vm4 =	vcmask $0x1F00;
	v3 =	vunpack.c.0.s8.s32 v3;
	s9 =	sadd.s32 s7, s23;
	s31 =	sshrl.u32 s22, $0x3;
	s21 =	simm.s32 $0x18920;
	v0 =	vand.u32 $0xF, v0  }
0xf: {  	s22 =	simm.s32 $0x18C20;
	[dreg:$0x6] =	wrdreg s9;
	s10 =	sadd.s32 $0x180, s8;
	v0 =	vcombine.low v1, v0;
	v1 =	vand.u32 $0xF, v2;
	v2 =	vimm.s32 $0xBA987654  }
0x10: {  	s9 =	sor.u32 $0x1C09, s24;
	s25 =	sshrl.u32 s8, $0x3;
	[dreg:$0xd] =	wrdreg s31;
	v1 =	vcombine.low v3, v1;
	v3 =	vimm.s32 $0x32100000;
	v2 =	vunpack.c.l.s4.s8 v2  }
0x11: {  	vm0 =	vmor vm1, vm0;
	vm1 =	vcmask $0x2724;
	s16 =	sadd.s32 $0x300, s8;
	s0 =	smax.u32 s0, $0x1;
	[dreg:$0x7] =	wrdreg s9;
	v3 =	vunpack.c.l.s4.s8 v3  }
0x12: {  	vm5 =	vmmov $0xfff;
	vm0 =	vmor vm0, vm1;
	s17 =	sadd.s32 $0x480, s8;
	s12 =	sadd.s32 s1, s25;
	[dreg:$0xc] =	wrdreg s0;
	v2 =	vunpack.c.0.s8.s32 v2  }
0x13: {  	vm1 =	vmor vm3, vm2;
	vm2 =	vcmask $0x2B24;
	s26 =	sshrl.u32 s10, $0x3;
	s9 =	sadd.s32 s2, s25;
	[dreg:$0x8] =	wrdreg s12;
	v3 =	vunpack.c.0.s8.s32 v3  }
0x14: {  	vm3 =	vcmask $0x3324;
	vm1 =	vmor vm1, vm2;
	s0 =	simm.s32 $0x3;
	[dreg:$0x9] =	wrdreg s9;
	s29 =	sadd.s32 s1, s26;
	v2 =	vand.u32 $0xF, v2  }
0x15: {  	vm2 =	vmor vm4, vm3;
	s25 =	simm.s32 $0x8;
	s30 =	sadd.s32 s2, s26;
	[dreg:$0xa] =	wrdreg s29;
	v2 =	vcombine.low v3, v2;
	v3 =	vimm.s32 $0xF080300  }
0x16: {  	vm3 =	vmmov $0xf;
	vm4 =	vmmov $0xff;
	s26 =	simm.s32 $0x80;
	s12 =	simm.s32 $0x1DCA0;
	[dreg:$0xb] =	wrdreg s30;
	v3 =	vunpack.c.0.s8.s32 v3  }
.LBB2_1:
0x17: {  	[dreg:$0xe] =	wrdreg s11  }
0x18: {  	s9 =	rddreg [dreg:$0x6]  }
0x19: {  	s31 =	rddreg [dreg:$0x7]  }
0x1a: {  	s23 =	rddreg [dreg:$0xd];
	s24 =	simm.s32 $0x9  }
0x1b: {  	[spmem:s23], [sflag:s31] =	dma.local [hbm:s9], $0x30D4  }
0x1c: {  	_ =	swait.ge [sflag:s24], $0x30D4  }
0x1d: {  	[sflag:s24] =	ssyncset.done $0x0  }
0x1e: {  	[sflag:s24] =	ssyncadd.s32 $0xFFFFCF2C  }
0x1f: {  	[bflag:$0x0] =	sbarrier.arrive $0xFFFF  }
0x20: {  	s11 =	simm.s32 $0x186A0;
	s29 =	rddreg [dreg:$0x8]  }
0x21: {  	[tilespmem:s11], [sflag:$0x1] =	stream.linear.gather [hbm4b:s29+s6], $0x180, $0x38;
	[tilespmem:$0x1F8A0] =	vst v63  }
0x22: {  	s23 =	simm.s32 $0x189A0;
	s30 =	rddreg [dreg:$0x9]  }
0x23: {  	[tilespmem:s23], [sflag:$0x1] =	stream.linear.gather [hbm4b:s30+s6], $0x180, $0x38;
	[tilespmem:$0x1F8A0] =	vst v63  }
0x24: {  	s24 =	simm.s32 $0x18820;
	s31 =	rddreg [dreg:$0xa]  }
0x25: {  	[tilespmem:s24], [sflag:$0x2] =	stream.linear.gather [hbm4b:s31+s6], $0x180, $0x38;
	[tilespmem:$0x1F8A0] =	vst v63  }
0x26: {  	s29 =	rddreg [dreg:$0xb];
	s30 =	simm.s32 $0x18B20;
	s31 =	simm.s32 $0x1  }
0x27: {  	[tilespmem:s30], [sflag:$0x2] =	stream.linear.gather [hbm4b:s29+s6], $0x180, $0x38;
	[tilespmem:$0x1F8A0] =	vst v63  }
0x28: {  	_ =	swait.ge [sflag:s31], $0x180  }
0x29: {  	[sflag:s31] =	ssyncset.done $0x0  }
0x2a: {  	[sflag:s31] =	ssyncadd.s32 $0xFFFFFE80  }
0x2b: {  	_ =	swait.ge [sflag:s31], $0x180  }
0x2c: {  	[sflag:s31] =	ssyncset.done $0x0  }
0x2d: {  	s24 =	simm.s32 $0x18CA0;
	[sflag:s31] =	ssyncadd.s32 $0xFFFFFE80  }
0x2e: {  	[tilespmem:s24], [sflag:$0x3] =	stream.indirect.gather [spmem:s4], $0x10, s11, s26, $0xb8;
	[tilespmem:$0x1F8A0] =	vst v63  }
0x2f: {  	s29 =	simm.s32 $0x1BCA0  }
0x30: {  	[tilespmem:s29], [sflag:$0x5] =	stream.indirect.gather [hbm4b:s7+s26], $0x10, s23, s26, $0xb8;
	[tilespmem:$0x1F8A0] =	vst v63  }
0x31: {  	s30 =	simm.s32 $0x18720;
	s31 =	simm.s32 $0x194A0  }
0x32: {  	[tilespmem:s31], [sflag:$0x3] =	stream.indirect.gather [spmem:s4], $0x10, s30, s26, $0xb8;
	[tilespmem:$0x1F8A0] =	vst v63  }
0x33: {  	s11 =	simm.s32 $0x18A20;
	s23 =	simm.s32 $0x1C4A0  }
0x34: {  	[tilespmem:s23], [sflag:$0x5] =	stream.indirect.gather [hbm4b:s7+s26], $0x10, s11, s26, $0xb8;
	[tilespmem:$0x1F8A0] =	vst v63  }
0x35: {  	s24 =	simm.s32 $0x187A0;
	s29 =	simm.s32 $0x19CA0  }
0x36: {  	[tilespmem:s29], [sflag:$0x3] =	stream.indirect.gather [spmem:s4], $0x10, s24, s26, $0xb8;
	[tilespmem:$0x1F8A0] =	vst v63  }
0x37: {  	s30 =	simm.s32 $0x18AA0;
	s31 =	simm.s32 $0x1CCA0;
	s23 =	simm.s32 $0x0  }
0x38: {  	[tilespmem:s31], [sflag:$0x5] =	stream.indirect.gather [hbm4b:s7+s26], $0x10, s30, s26, $0xb8;
	[tilespmem:$0x1F8A0] =	vst v63  }
.LBB2_2:
0x39: {  	_ =	swait.ge [sflag:s0], $0x1800;
	p0 =	seq.s32 s23, $0x82  }
0x3a: {  	[sflag:s0] =	ssyncset.done $0x0;
	s9 =	smul.u32 @!p0 $0x300, s23  }
0x3b: {  	[sflag:s0] =	ssyncadd.s32 $0xFFFFE800  }
0x3c: {  	_ =	swait.ge [sflag:s5], $0x1800;
	s9 =	sadd.s32 @!p0 s9, s16  }
0x3d: {  	s24 =	simm.s32 @!p0 $0x0;
	[sflag:s5] =	ssyncset.done $0x0;
	s9 =	sshrl.u32 @!p0 s9, $0x3  }
0x3e: {  	s29 =	simm.s32 @!p0 $0x186A0;
	[sflag:s5] =	ssyncadd.s32 $0xFFFFE800;
	s11 =	sadd.s32 @!p0 s1, s9  }
0x3f: {  	[tilespmem:s29], [sflag:$0x1] =	stream.linear.gather @!p0 [hbm4b:s11+s24], $0x180, $0x38;
	[tilespmem:$0x1F8A0] =	vst v63  }
0x40: {  	s9 =	sadd.s32 @!p0 s2, s9;
	s11 =	simm.s32 @!p0 $0x189A0  }
0x41: {  	[tilespmem:s11], [sflag:$0x1] =	stream.linear.gather @!p0 [hbm4b:s9+s24], $0x180, $0x38;
	[tilespmem:$0x1F8A0] =	vst v63  }
0x42: {  	_ =	swait.ge [sflag:s28], $0x180  }
0x43: {  	[sflag:s28] =	ssyncset.done $0x0  }
0x44: {  	[sflag:s28] =	ssyncadd.s32 $0xFFFFFE80  }
0x45: {  	_ =	swait.ge [sflag:s28], $0x180  }
0x46: {  	[sflag:s28] =	ssyncset.done $0x0  }
0x47: {  	s11 =	simm.s32 $0x18820;
	s24 =	simm.s32 $0x1A4A0;
	[sflag:s28] =	ssyncadd.s32 $0xFFFFFE80  }
0x48: {  	[tilespmem:s24], [sflag:$0x4] =	stream.indirect.gather [spmem:s4], $0x10, s11, s26, $0xb8;
	[tilespmem:$0x1F8A0] =	vst v63  }
0x49: {  	s11 =	simm.s32 $0x18B20;
	s24 =	simm.s32 $0x1D4A0  }
0x4a: {  	[tilespmem:s24], [sflag:$0x6] =	stream.indirect.gather [hbm4b:s7+s26], $0x10, s11, s26, $0xb8;
	[tilespmem:$0x1F8A0] =	vst v63  }
0x4b: {  	s11 =	simm.s32 $0x188A0;
	s24 =	simm.s32 $0x1ACA0  }
0x4c: {  	[tilespmem:s24], [sflag:$0x4] =	stream.indirect.gather [spmem:s4], $0x10, s11, s26, $0xb8;
	[tilespmem:$0x1F8A0] =	vst v63  }
0x4d: {  	s24 =	simm.s32 $0x18BA0  }
0x4e: {  	[tilespmem:s12], [sflag:$0x6] =	stream.indirect.gather [hbm4b:s7+s26], $0x10, s24, s26, $0xb8;
	[tilespmem:$0x1F8A0] =	vst v63  }
0x4f: {  	p1 =	seq.s32 s23, $0x0  }
0x50: {  	[tilespmem:s13], [sflag:$0x4] =	stream.indirect.gather [spmem:s4], $0x10, s21, s26, $0xb8;
	[tilespmem:$0x1F8A0] =	vst v63  }
0x51: {  	s9 =	simm.s32 @!p1 $0x7  }
0x52: {  	[tilespmem:s14], [sflag:$0x6] =	stream.indirect.gather [hbm4b:s7+s26], $0x10, s22, s26, $0xb8;
	[tilespmem:$0x1F8A0] =	vst v63  }
0x53: {  	_ =	swait.ge @!p1 [sflag:s9], $0x600  }
0x54: {  	[sflag:s9] =	ssyncset.done @!p1 $0x0  }
0x55: {  	s11 =	simm.s32 $0x18CE0;
	[sflag:s9] =	ssyncadd.s32 @!p1 $0xFFFFFA00  }
0x56: {  	v4 =	vld [tilespmem:s11+$0x30]  }
0x57: {  	v5 =	vld [tilespmem:s11+$0x20]  }
0x58: {  	s24 =	simm.s32 $0x1BCE0;
	v6 =	vld [tilespmem:s11+$0x0]  }
0x59: {  	v7 =	vld [tilespmem:s24+$0x0]  }
0x5a: {  	v8 =	vld [tilespmem:s11+$0x10]  }
0x5b: {  	v9 =	vld [tilespmem:s24+$0x10]  }
0x5c: {  	v10 =	vld [tilespmem:s24+$0x20]  }
0x5d: {  	v11 =	vld [tilespmem:s24+$0x30];
	_ =	sdelay $0x3  }
0x5e: {  	v6 =	vmul.f32 v7, v6;
	v7 =	vmul.f32 v9, v8  }
0x5f: {  	v13 =	vld [tilespmem:s11+$0xFFFFFFD0];
	v5 =	vmul.f32 v10, v5;
	v4 =	vmul.f32 v11, v4  }
0x60: {  	v9 =	vld [tilespmem:s24+$0xFFFFFFC0];
	v8 =	vperm.xlane v6, v0;
	v10 =	vperm.xlane v7, v0  }
0x61: {  	v11 =	vld [tilespmem:s11+$0xFFFFFFC0];
	v12 =	vperm.xlane v5, v0  }
0x62: {  	v15 =	vld [tilespmem:s24+$0xFFFFFFE0];
	v14 =	vperm.xlane v4, v0;
	v8 =	vsel vm0, $0x0, v8;
	v10 =	vsel vm0, $0x0, v10  }
0x63: {  	v6 =	vadd.f32 v8, v6;
	v8 =	vld [tilespmem:s24+$0xFFFFFFD0];
	v7 =	vadd.f32 v10, v7;
	v10 =	vsel vm0, $0x0, v12  }
0x64: {  	v12 =	vld [tilespmem:s11+$0xFFFFFFE0];
	v5 =	vadd.f32 v10, v5  }
0x65: {  	v10 =	vsel vm0, $0x0, v14;
	v14 =	vperm.xlane v6, v1;
	v16 =	vperm.xlane v7, v1  }
0x66: {  	v9 =	vmul.f32 v9, v11;
	v4 =	vadd.f32 v10, v4  }
0x67: {  	v10 =	vperm.xlane v5, v1;
	v11 =	vsel vm1, $0x0, v14;
	v14 =	vsel vm1, $0x0, v16  }
0x68: {  	v16 =	vperm.xlane v4, v1;
	v6 =	vadd.f32 v11, v6;
	v8 =	vmul.f32 v8, v13  }
0x69: {  	v11 =	vld [tilespmem:s11+$0xFFFFFFF0];
	v7 =	vadd.f32 v14, v7;
	v10 =	vsel vm1, $0x0, v10;
	v12 =	vmul.f32 v15, v12  }
0x6a: {  	v13 =	vld [tilespmem:s24+$0xFFFFFFF0];
	v5 =	vadd.f32 v10, v5;
	v10 =	vsel vm1, $0x0, v16;
	v14 =	vperm.xlane v6, v2  }
0x6b: {  	v15 =	vperm.xlane v7, v2;
	v4 =	vadd.f32 v10, v4;
	v10 =	vperm.xlane v9, v0  }
0x6c: {  	v16 =	vperm.xlane v5, v2;
	v14 =	vsel vm2, $0x0, v14  }
0x6d: {  	v15 =	vsel vm2, $0x0, v15;
	v17 =	vperm.xlane v4, v2;
	v10 =	vsel vm0, $0x0, v10  }
0x6e: {  	v6 =	vadd.f32 v14, v6;
	v7 =	vadd.f32 v15, v7;
	v15 =	vperm.xlane v8, v0  }
0x6f: {  	v14 =	vsel vm2, $0x0, v16;
	v11 =	vmul.f32 v13, v11;
	v13 =	vperm.xlane v12, v0  }
0x70: {  	s11 =	simm.s32 $0x18D60;
	v9 =	vadd.f32 v10, v9;
	v5 =	vadd.f32 v14, v5;
	v14 =	vsel vm2, $0x0, v17  }
0x71: {  	s24 =	simm.s32 $0x1BD60;
	v20 =	vld [tilespmem:s11+$0x10];
	v15 =	vsel vm0, $0x0, v15;
	v16 =	vperm.xlane v11, v0;
	v6 =	vperm.xlane v6, v3  }
0x72: {  	v10 =	vld [tilespmem:s24+$0x30];
	v4 =	vadd.f32 v14, v4;
	v13 =	vsel vm0, $0x0, v13;
	v8 =	vadd.f32 v15, v8  }
0x73: {  	v17 =	vld [tilespmem:s11+$0x30];
	v7 =	vperm.xlane v7, v3;
	v12 =	vadd.f32 v13, v12;
	v5 =	vperm.xlane v5, v3  }
0x74: {  	v15 =	vld [tilespmem:s11+$0x20];
	v14 =	vsel vm0, $0x0, v16;
	v16 =	vperm.xlane v9, v1;
	v18 =	vperm.xlane v8, v1  }
0x75: {  	v13 =	vld [tilespmem:s11+$0x0];
	v4 =	vperm.xlane v4, v3;
	v6 =	vsel vm3, v6, v7;
	v11 =	vadd.f32 v14, v11  }
0x76: {  	v14 =	vld [tilespmem:s24+$0x0];
	v19 =	vperm.xlane v12, v1;
	v16 =	vsel vm1, $0x0, v16;
	v18 =	vsel vm1, $0x0, v18  }
0x77: {  	v9 =	vadd.f32 v16, v9;
	v16 =	vperm.xlane v11, v1;
	v7 =	vadd.f32 v18, v8;
	v8 =	vld [tilespmem:s24+$0x10]  }
0x78: {  	v5 =	vsel vm4, v6, v5;
	v10 =	vmul.f32 v10, v17;
	v18 =	vsel vm1, $0x0, v19;
	v19 =	vld [tilespmem:s24+$0x20]  }
0x79: {  	v21 =	vperm.xlane v9, v2;
	v16 =	vsel vm1, $0x0, v16;
	v6 =	vadd.f32 v18, v12  }
0x7a: {  	v11 =	vadd.f32 v16, v11;
	v16 =	vsel vm5, v5, v4;
	v4 =	vperm.xlane v7, v2  }
0x7b: {  	v58 =	vperm.xlane v10, v0;
	v13 =	vmul.f32 v14, v13;
	v5 =	vsel vm2, $0x0, v21  }
0x7c: {  	v18 =	vld [tilespmem:s24+$0xFFFFFFC0];
	v12 =	vperm.xlane v6, v2;
	v4 =	vsel vm2, $0x0, v4;
	v8 =	vmul.f32 v8, v20  }
0x7d: {  	v14 =	vld [tilespmem:s11+$0xFFFFFFC0];
	v5 =	vadd.f32 v5, v9;
	v4 =	vadd.f32 v4, v7;
	v7 =	vmul.f32 v19, v15  }
0x7e: {  	v57 =	vld [tilespmem:s24+$0xFFFFFFD0];
	v17 =	vperm.xlane v13, v0;
	v12 =	vsel vm2, $0x0, v12;
	v19 =	vperm.xlane v8, v0  }
0x7f: {  	v9 =	vperm.xlane v11, v2;
	v15 =	vld [tilespmem:s11+$0xFFFFFFD0];
	v6 =	vadd.f32 v12, v6;
	v12 =	vperm.xlane v7, v0  }
0x80: {  	v5 =	vperm.xlane v5, v3;
	v17 =	vsel vm0, $0x0, v17;
	v19 =	vsel vm0, $0x0, v19  }
0x81: {  	v22 =	vld [tilespmem:s11+$0xFFFFFFE0];
	v13 =	vadd.f32 v17, v13;
	v12 =	vsel vm0, $0x0, v12;
	v17 =	vadd.f32 v19, v8  }
0x82: {  	v19 =	vld [tilespmem:s24+$0xFFFFFFE0];
	v8 =	vmul.f32 v18, v14;
	v7 =	vadd.f32 v12, v7;
	v12 =	vsel vm0, $0x0, v58  }
0x83: {  	v14 =	vperm.xlane v13, v1;
	v12 =	vadd.f32 v12, v10;
	v18 =	vperm.xlane v17, v1  }
0x84: {  	v59 =	vsel vm2, $0x0, v9;
	v9 =	vmul.f32 v57, v15;
	v10 =	vperm.xlane v7, v1  }
0x85: {  	v14 =	vsel vm1, $0x0, v14;
	v15 =	vsel vm1, $0x0, v18;
	v18 =	vperm.xlane v12, v1  }
0x86: {  	v13 =	vadd.f32 v14, v13;
	v14 =	vadd.f32 v15, v17;
	v15 =	vsel vm1, $0x0, v10  }
0x87: {  	v10 =	vmul.f32 v19, v22;
	v15 =	vadd.f32 v15, v7;
	v7 =	vsel vm1, $0x0, v18  }
0x88: {  	v60 =	vld [tilespmem:s24+$0xFFFFFFF0];
	v18 =	vperm.xlane v13, v2;
	v19 =	vperm.xlane v14, v2;
	v12 =	vadd.f32 v7, v12  }
0x89: {  	v17 =	vld [tilespmem:s11+$0xFFFFFFF0];
	v7 =	vadd.f32 v59, v11;
	v11 =	vperm.xlane v8, v0;
	v61 =	vperm.xlane v15, v2  }
0x8a: {  	v18 =	vsel vm2, $0x0, v18;
	v19 =	vsel vm2, $0x0, v19;
	v62 =	vperm.xlane v12, v2  }
0x8b: {  	v13 =	vadd.f32 v18, v13;
	v14 =	vadd.f32 v19, v14;
	v18 =	vsel vm2, $0x0, v61  }
0x8c: {  	v19 =	vperm.xlane v9, v0;
	v18 =	vadd.f32 v18, v15;
	v15 =	vsel vm2, $0x0, v62  }
0x8d: {  	v13 =	vperm.xlane v13, v3;
	v63 =	vperm.xlane v14, v3;
	v12 =	vadd.f32 v15, v12  }
0x8e: {  	v15 =	vsel vm0, $0x0, v11;
	v11 =	vmul.f32 v60, v17;
	v18 =	vperm.xlane v18, v3  }
0x8f: {  	s29 =	simm.s32 $0x1ECB0;
	v14 =	vperm.xlane v10, v0;
	v12 =	vperm.xlane v12, v3;
	v13 =	vsel vm3, v13, v63  }
0x90: {  	s31 =	simm.s32 $0x8;
	s30 =	simm.s32 $0x1ECB0;
	s9 =	simm.s32 $0x18DE0;
	[tilespmem:s29+$0x0] =	vst v16;
	v17 =	vsel vm0, $0x0, v19;
	v16 =	vperm.xlane v11, v0;
	v13 =	vsel vm4, v13, v18  }
.LBB2_3:
0x91: {  	v18 =	vld [tilespmem:s9+$0x30];
	v8 =	vadd.f32 v15, v8;
	v9 =	vadd.f32 v17, v9;
	v12 =	vsel vm5, v13, v12;
	s24 =	sadd.s32 $0x80, s24;
	s29 =	sadd.s32 $0x20, s29  }
0x92: {  	v14 =	vsel vm0, $0x0, v14;
	v4 =	vperm.xlane v4, v3;
	v13 =	vld [tilespmem:s24+$0x30];
	v15 =	vsel vm0, $0x0, v16;
	[tilespmem:s29+$0x0] =	vst v12  }
0x93: {  	v10 =	vadd.f32 v14, v10;
	v12 =	vld [tilespmem:s9+$0x20];
	v16 =	vperm.xlane v8, v1;
	v17 =	vperm.xlane v9, v1  }
0x94: {  	v6 =	vperm.xlane v6, v3;
	v11 =	vadd.f32 v15, v11;
	v4 =	vsel vm3, v5, v4;
	v14 =	vld [tilespmem:s9+$0x0]  }
0x95: {  	v5 =	vld [tilespmem:s24+$0x0];
	v15 =	vsel vm1, $0x0, v16;
	v16 =	vsel vm1, $0x0, v17;
	v17 =	vperm.xlane v10, v1  }
0x96: {  	v19 =	vld [tilespmem:s9+$0x10];
	v8 =	vadd.f32 v15, v8;
	v9 =	vadd.f32 v16, v9;
	v15 =	vperm.xlane v11, v1  }
0x97: {  	s31 =	sadd.s32 $0x8, s31;
	v7 =	vperm.xlane v7, v3;
	v4 =	vsel vm4, v4, v6;
	v16 =	vld [tilespmem:s24+$0x10];
	v17 =	vsel vm1, $0x0, v17  }
0x98: {  	p1 =	slt.u32 s31, $0x178;
	v6 =	vld [tilespmem:s24+$0x20];
	v20 =	vperm.xlane v8, v2;
	v10 =	vadd.f32 v17, v10;
	v15 =	vsel vm1, $0x0, v15  }
0x99: {  	v4 =	vsel vm5, v4, v7;
	v21 =	vperm.xlane v9, v2;
	v17 =	vld [tilespmem:s24+$0xFFFFFFC0];
	v11 =	vadd.f32 v15, v11  }
0x9a: {  	v7 =	vld [tilespmem:s9+$0xFFFFFFD0];
	v15 =	vsel vm2, $0x0, v20;
	v20 =	vperm.xlane v10, v2;
	[tilespmem:s30+$0xFFFFFFF0] =	vst v4;
	s30 =	smov.u32 s29  }
0x9b: {  	v4 =	vsel vm2, $0x0, v21;
	v22 =	vld [tilespmem:s24+$0xFFFFFFD0];
	v8 =	vadd.f32 v15, v8;
	v15 =	vperm.xlane v11, v2  }
0x9c: {  	v14 =	vmul.f32 v5, v14;
	v4 =	vadd.f32 v4, v9;
	v21 =	vld [tilespmem:s9+$0xFFFFFFC0];
	v16 =	vmul.f32 v16, v19  }
0x9d: {  	v5 =	vsel vm2, $0x0, v20;
	v19 =	vld [tilespmem:s9+$0xFFFFFFE0];
	v9 =	vmul.f32 v6, v12;
	v12 =	vmul.f32 v13, v18  }
0x9e: {  	v18 =	vperm.xlane v14, v0;
	v6 =	vadd.f32 v5, v10;
	v13 =	vld [tilespmem:s24+$0xFFFFFFE0];
	v20 =	vperm.xlane v16, v0  }
0x9f: {  	v5 =	vperm.xlane v8, v3;
	v15 =	vsel vm2, $0x0, v15;
	v23 =	vld [tilespmem:s9+$0xFFFFFFF0];
	v10 =	vperm.xlane v9, v0  }
0xa0: {  	v8 =	vsel vm0, $0x0, v18;
	v24 =	vld [tilespmem:s24+$0xFFFFFFF0];
	v18 =	vsel vm0, $0x0, v20;
	v20 =	vperm.xlane v12, v0  }
0xa1: {  	v14 =	vadd.f32 v8, v14;
	v16 =	vadd.f32 v18, v16;
	v10 =	vsel vm0, $0x0, v10  }
0xa2: {  	v8 =	vmul.f32 v17, v21;
	v17 =	vadd.f32 v10, v9;
	v9 =	vsel vm0, $0x0, v20  }
0xa3: {  	v10 =	vperm.xlane v14, v1;
	v18 =	vperm.xlane v16, v1;
	v12 =	vadd.f32 v9, v12  }
0xa4: {  	v9 =	vmul.f32 v22, v7;
	v7 =	vadd.f32 v15, v11;
	v20 =	vperm.xlane v17, v1  }
0xa5: {  	v10 =	vsel vm1, $0x0, v10;
	v11 =	vsel vm1, $0x0, v18;
	v15 =	vperm.xlane v12, v1  }
0xa6: {  	v14 =	vadd.f32 v10, v14;
	v11 =	vadd.f32 v11, v16;
	v16 =	vsel vm1, $0x0, v20  }
0xa7: {  	v10 =	vmul.f32 v13, v19;
	v13 =	vadd.f32 v16, v17;
	v15 =	vsel vm1, $0x0, v15  }
0xa8: {  	v16 =	vperm.xlane v14, v2;
	v17 =	vperm.xlane v11, v2;
	v12 =	vadd.f32 v15, v12  }
0xa9: {  	v15 =	vperm.xlane v8, v0;
	v18 =	vperm.xlane v13, v2  }
0xaa: {  	v16 =	vsel vm2, $0x0, v16;
	v17 =	vsel vm2, $0x0, v17;
	v19 =	vperm.xlane v12, v2  }
0xab: {  	v14 =	vadd.f32 v16, v14;
	v11 =	vadd.f32 v17, v11;
	v16 =	vsel vm2, $0x0, v18  }
.Ltmp0:
0xac: {  	v17 =	vperm.xlane v9, v0;
	v13 =	vadd.f32 v16, v13;
	v16 =	vsel vm2, $0x0, v19;
	(pc) =	sbr.rel @p1 .LBB2_3-.Ltmp0, $4  }
0xad: {  	v18 =	vperm.xlane v14, v3;
	v19 =	vperm.xlane v11, v3;
	v12 =	vadd.f32 v16, v12  }
0xae: {  	v15 =	vsel vm0, $0x0, v15;
	v11 =	vmul.f32 v24, v23;
	v13 =	vperm.xlane v13, v3  }
0xaf: {  	v14 =	vperm.xlane v10, v0;
	v12 =	vperm.xlane v12, v3;
	v18 =	vsel vm3, v18, v19  }
0xb0: {  	s9 =	sadd.s32 $0x80, s9;
	v17 =	vsel vm0, $0x0, v17;
	v16 =	vperm.xlane v11, v0;
	v13 =	vsel vm4, v18, v13  }
0xb1: {  	v8 =	vadd.f32 v15, v8;
	v9 =	vadd.f32 v17, v9;
	v14 =	vsel vm0, $0x0, v14  }
0xb2: {  	v15 =	vsel vm0, $0x0, v16;
	v10 =	vadd.f32 v14, v10  }
0xb3: {  	v14 =	vperm.xlane v8, v1;
	v16 =	vperm.xlane v9, v1;
	v11 =	vadd.f32 v15, v11  }
0xb4: {  	v15 =	vperm.xlane v10, v1  }
0xb5: {  	v14 =	vsel vm1, $0x0, v14;
	v16 =	vsel vm1, $0x0, v16;
	v17 =	vperm.xlane v11, v1  }
0xb6: {  	v8 =	vadd.f32 v14, v8;
	v9 =	vadd.f32 v16, v9;
	v14 =	vsel vm1, $0x0, v15  }
0xb7: {  	v10 =	vadd.f32 v14, v10;
	v14 =	vsel vm1, $0x0, v17  }
0xb8: {  	v15 =	vperm.xlane v8, v2;
	v16 =	vperm.xlane v9, v2;
	v11 =	vadd.f32 v14, v11  }
0xb9: {  	v12 =	vsel vm5, v13, v12;
	v4 =	vperm.xlane v4, v3;
	v13 =	vperm.xlane v10, v2  }
0xba: {  	v14 =	vsel vm2, $0x0, v15;
	v15 =	vsel vm2, $0x0, v16;
	v16 =	vperm.xlane v11, v2  }
0xbb: {  	v8 =	vadd.f32 v14, v8;
	v9 =	vadd.f32 v15, v9;
	v13 =	vsel vm2, $0x0, v13  }
0xbc: {  	v6 =	vperm.xlane v6, v3;
	v10 =	vadd.f32 v13, v10;
	v13 =	vsel vm2, $0x0, v16  }
0xbd: {  	v8 =	vperm.xlane v8, v3;
	v11 =	vadd.f32 v13, v11;
	v9 =	vperm.xlane v9, v3  }
0xbe: {  	s24 =	smul.u32 $0x300, s23;
	v4 =	vsel vm3, v5, v4;
	v5 =	vperm.xlane v7, v3;
	v7 =	vperm.xlane v10, v3  }
0xbf: {  	s9 =	sadd.s32 $0x20, s29;
	v4 =	vsel vm4, v4, v6;
	v6 =	vsel vm3, v8, v9;
	v8 =	vperm.xlane v11, v3  }
0xc0: {  	[tilespmem:s9+$0x0] =	vst v12;
	s11 =	sadd.s32 s8, s24;
	v4 =	vsel vm5, v4, v5;
	v5 =	vsel vm4, v6, v7  }
0xc1: {  	s11 =	sshrl.u32 s11, $0x1;
	[tilespmem:s30+$0xFFFFFFF0] =	vst v4;
	v4 =	vsel vm5, v5, v8  }
0xc2: {  	s11 =	sadd.s32 s3, s11;
	[tilespmem:s9+$0xFFFFFFF0] =	vst v4  }
0xc3: {  	[hbm4b:s11+s6] =	stream.linear.scatter [tilespmem:s15], [sflag:$0x7], $0x600, $0x38;
	[tilespmem:$0x1F8A0] =	vst v63  }
0xc4: {  	_ =	swait.ge [sflag:s18], $0x1800  }
0xc5: {  	[sflag:s18] =	ssyncset.done $0x0  }
0xc6: {  	[sflag:s18] =	ssyncadd.s32 $0xFFFFE800  }
0xc7: {  	s9 =	sadd.s32 @!p0 s24, s17;
	_ =	swait.ge [sflag:s19], $0x1800  }
0xc8: {  	s29 =	simm.s32 @!p0 $0x0;
	s9 =	sshrl.u32 @!p0 s9, $0x3;
	[sflag:s19] =	ssyncset.done $0x0  }
0xc9: {  	s30 =	simm.s32 @!p0 $0x18820;
	s11 =	sadd.s32 @!p0 s1, s9;
	[sflag:s19] =	ssyncadd.s32 $0xFFFFE800  }
0xca: {  	[tilespmem:s30], [sflag:$0x2] =	stream.linear.gather @!p0 [hbm4b:s11+s29], $0x180, $0x38;
	[tilespmem:$0x1F8A0] =	vst v63  }
0xcb: {  	s9 =	sadd.s32 @!p0 s2, s9;
	s11 =	simm.s32 @!p0 $0x18B20  }
0xcc: {  	[tilespmem:s11], [sflag:$0x2] =	stream.linear.gather @!p0 [hbm4b:s9+s29], $0x180, $0x38;
	[tilespmem:$0x1F8A0] =	vst v63  }
0xcd: {  	s9 =	simm.s32 @!p0 $0x1  }
0xce: {  	_ =	swait.ge @!p0 [sflag:s9], $0x180  }
0xcf: {  	[sflag:s9] =	ssyncset.done @!p0 $0x0  }
0xd0: {  	[sflag:s9] =	ssyncadd.s32 @!p0 $0xFFFFFE80  }
0xd1: {  	_ =	swait.ge @!p0 [sflag:s9], $0x180  }
0xd2: {  	s11 =	simm.s32 @!p0 $0x186A0;
	[sflag:s9] =	ssyncset.done @!p0 $0x0  }
0xd3: {  	s29 =	simm.s32 @!p0 $0x18CA0;
	[sflag:s9] =	ssyncadd.s32 @!p0 $0xFFFFFE80;
	s9 =	simm.s32 @!p0 $0x80  }
0xd4: {  	[tilespmem:s29], [sflag:$0x3] =	stream.indirect.gather @!p0 [spmem:s4], $0x10, s11, s9, $0xb8;
	[tilespmem:$0x1F8A0] =	vst v63  }
0xd5: {  	s11 =	simm.s32 @!p0 $0x189A0;
	s29 =	simm.s32 @!p0 $0x1BCA0  }
0xd6: {  	[tilespmem:s29], [sflag:$0x5] =	stream.indirect.gather @!p0 [hbm4b:s7+s9], $0x10, s11, s9, $0xb8;
	[tilespmem:$0x1F8A0] =	vst v63  }
0xd7: {  	s11 =	simm.s32 @!p0 $0x18720;
	s29 =	simm.s32 @!p0 $0x194A0  }
0xd8: {  	[tilespmem:s29], [sflag:$0x3] =	stream.indirect.gather @!p0 [spmem:s4], $0x10, s11, s9, $0xb8;
	[tilespmem:$0x1F8A0] =	vst v63  }
0xd9: {  	s11 =	simm.s32 @!p0 $0x18A20;
	s29 =	simm.s32 @!p0 $0x1C4A0  }
0xda: {  	[tilespmem:s29], [sflag:$0x5] =	stream.indirect.gather @!p0 [hbm4b:s7+s9], $0x10, s11, s9, $0xb8;
	[tilespmem:$0x1F8A0] =	vst v63  }
0xdb: {  	s11 =	simm.s32 @!p0 $0x187A0;
	s29 =	simm.s32 @!p0 $0x19CA0  }
0xdc: {  	[tilespmem:s29], [sflag:$0x3] =	stream.indirect.gather @!p0 [spmem:s4], $0x10, s11, s9, $0xb8;
	[tilespmem:$0x1F8A0] =	vst v63  }
0xdd: {  	p1 =	seq.s32 @!p0 s23, $0x0;
	s11 =	simm.s32 @!p0 $0x18AA0;
	s29 =	simm.s32 @!p0 $0x1CCA0  }
0xde: {  	[tilespmem:s29], [sflag:$0x5] =	stream.indirect.gather @!p0 [hbm4b:s7+s9], $0x10, s11, s9, $0xb8;
	[tilespmem:$0x1F8A0] =	vst v63  }
0xdf: {  	p0 =	por p0, !p1  }
0xe0: {  	_ =	swait.ge @p0 [sflag:s25], $0x600  }
0xe1: {  	[sflag:s25] =	ssyncset.done @p0 $0x0  }
0xe2: {  	s9 =	simm.s32 $0x1A4E0;
	[sflag:s25] =	ssyncadd.s32 @p0 $0xFFFFFA00  }
0xe3: {  	v4 =	vld [tilespmem:s9+$0x30]  }
0xe4: {  	v5 =	vld [tilespmem:s9+$0x20]  }
0xe5: {  	s11 =	simm.s32 $0x1D4E0;
	v6 =	vld [tilespmem:s9+$0x0]  }
0xe6: {  	v7 =	vld [tilespmem:s11+$0x0]  }
0xe7: {  	v8 =	vld [tilespmem:s9+$0x10]  }
0xe8: {  	v9 =	vld [tilespmem:s11+$0x10]  }
0xe9: {  	v10 =	vld [tilespmem:s11+$0x20]  }
0xea: {  	v11 =	vld [tilespmem:s11+$0x30];
	_ =	sdelay $0x3  }
0xeb: {  	v6 =	vmul.f32 v7, v6;
	v7 =	vmul.f32 v9, v8  }
0xec: {  	v13 =	vld [tilespmem:s9+$0xFFFFFFD0];
	v5 =	vmul.f32 v10, v5;
	v4 =	vmul.f32 v11, v4  }
0xed: {  	v9 =	vld [tilespmem:s11+$0xFFFFFFC0];
	v8 =	vperm.xlane v6, v0;
	v10 =	vperm.xlane v7, v0  }
0xee: {  	v11 =	vld [tilespmem:s9+$0xFFFFFFC0];
	v12 =	vperm.xlane v5, v0  }
0xef: {  	v15 =	vld [tilespmem:s11+$0xFFFFFFE0];
	v14 =	vperm.xlane v4, v0;
	v8 =	vsel vm0, $0x0, v8;
	v10 =	vsel vm0, $0x0, v10  }
0xf0: {  	v6 =	vadd.f32 v8, v6;
	v8 =	vld [tilespmem:s11+$0xFFFFFFD0];
	v7 =	vadd.f32 v10, v7;
	v10 =	vsel vm0, $0x0, v12  }
0xf1: {  	v12 =	vld [tilespmem:s9+$0xFFFFFFE0];
	v5 =	vadd.f32 v10, v5  }
0xf2: {  	v10 =	vsel vm0, $0x0, v14;
	v14 =	vperm.xlane v6, v1;
	v16 =	vperm.xlane v7, v1  }
0xf3: {  	v9 =	vmul.f32 v9, v11;
	v4 =	vadd.f32 v10, v4  }
0xf4: {  	v10 =	vperm.xlane v5, v1;
	v11 =	vsel vm1, $0x0, v14;
	v14 =	vsel vm1, $0x0, v16  }
0xf5: {  	v16 =	vperm.xlane v4, v1;
	v6 =	vadd.f32 v11, v6;
	v8 =	vmul.f32 v8, v13  }
0xf6: {  	v11 =	vld [tilespmem:s9+$0xFFFFFFF0];
	v7 =	vadd.f32 v14, v7;
	v10 =	vsel vm1, $0x0, v10;
	v12 =	vmul.f32 v15, v12  }
0xf7: {  	v13 =	vld [tilespmem:s11+$0xFFFFFFF0];
	v5 =	vadd.f32 v10, v5;
	v10 =	vsel vm1, $0x0, v16;
	v14 =	vperm.xlane v6, v2  }
0xf8: {  	v15 =	vperm.xlane v7, v2;
	v4 =	vadd.f32 v10, v4;
	v10 =	vperm.xlane v9, v0  }
0xf9: {  	v16 =	vperm.xlane v5, v2;
	v14 =	vsel vm2, $0x0, v14  }
0xfa: {  	v15 =	vsel vm2, $0x0, v15;
	v17 =	vperm.xlane v4, v2;
	v10 =	vsel vm0, $0x0, v10  }
0xfb: {  	v6 =	vadd.f32 v14, v6;
	v7 =	vadd.f32 v15, v7;
	v15 =	vperm.xlane v8, v0  }
0xfc: {  	v14 =	vsel vm2, $0x0, v16;
	v11 =	vmul.f32 v13, v11;
	v13 =	vperm.xlane v12, v0  }
0xfd: {  	s11 =	simm.s32 $0x1A560;
	v9 =	vadd.f32 v10, v9;
	v5 =	vadd.f32 v14, v5;
	v14 =	vsel vm2, $0x0, v17  }
0xfe: {  	s29 =	simm.s32 $0x1D560;
	v20 =	vld [tilespmem:s11+$0x10];
	v15 =	vsel vm0, $0x0, v15;
	v16 =	vperm.xlane v11, v0;
	v6 =	vperm.xlane v6, v3  }
0xff: {  	v10 =	vld [tilespmem:s29+$0x30];
	v4 =	vadd.f32 v14, v4;
	v13 =	vsel vm0, $0x0, v13;
	v8 =	vadd.f32 v15, v8  }
0x100: {  	v17 =	vld [tilespmem:s11+$0x30];
	v7 =	vperm.xlane v7, v3;
	v12 =	vadd.f32 v13, v12;
	v5 =	vperm.xlane v5, v3  }
0x101: {  	v15 =	vld [tilespmem:s11+$0x20];
	v14 =	vsel vm0, $0x0, v16;
	v16 =	vperm.xlane v9, v1;
	v18 =	vperm.xlane v8, v1  }
0x102: {  	v13 =	vld [tilespmem:s11+$0x0];
	v4 =	vperm.xlane v4, v3;
	v6 =	vsel vm3, v6, v7;
	v11 =	vadd.f32 v14, v11  }
0x103: {  	v14 =	vld [tilespmem:s29+$0x0];
	v19 =	vperm.xlane v12, v1;
	v16 =	vsel vm1, $0x0, v16;
	v18 =	vsel vm1, $0x0, v18  }
0x104: {  	v9 =	vadd.f32 v16, v9;
	v16 =	vperm.xlane v11, v1;
	v7 =	vadd.f32 v18, v8;
	v8 =	vld [tilespmem:s29+$0x10]  }
0x105: {  	v5 =	vsel vm4, v6, v5;
	v10 =	vmul.f32 v10, v17;
	v18 =	vsel vm1, $0x0, v19;
	v19 =	vld [tilespmem:s29+$0x20]  }
0x106: {  	v21 =	vperm.xlane v9, v2;
	v16 =	vsel vm1, $0x0, v16;
	v6 =	vadd.f32 v18, v12  }
0x107: {  	v11 =	vadd.f32 v16, v11;
	v16 =	vsel vm5, v5, v4;
	v4 =	vperm.xlane v7, v2  }
0x108: {  	v58 =	vperm.xlane v10, v0;
	v13 =	vmul.f32 v14, v13;
	v5 =	vsel vm2, $0x0, v21  }
0x109: {  	v18 =	vld [tilespmem:s29+$0xFFFFFFC0];
	v12 =	vperm.xlane v6, v2;
	v4 =	vsel vm2, $0x0, v4;
	v8 =	vmul.f32 v8, v20  }
0x10a: {  	v14 =	vld [tilespmem:s11+$0xFFFFFFC0];
	v5 =	vadd.f32 v5, v9;
	v4 =	vadd.f32 v4, v7;
	v7 =	vmul.f32 v19, v15  }
0x10b: {  	v57 =	vld [tilespmem:s29+$0xFFFFFFD0];
	v17 =	vperm.xlane v13, v0;
	v12 =	vsel vm2, $0x0, v12;
	v19 =	vperm.xlane v8, v0  }
0x10c: {  	v9 =	vperm.xlane v11, v2;
	v15 =	vld [tilespmem:s11+$0xFFFFFFD0];
	v6 =	vadd.f32 v12, v6;
	v12 =	vperm.xlane v7, v0  }
0x10d: {  	v5 =	vperm.xlane v5, v3;
	v17 =	vsel vm0, $0x0, v17;
	v19 =	vsel vm0, $0x0, v19  }
0x10e: {  	v22 =	vld [tilespmem:s11+$0xFFFFFFE0];
	v13 =	vadd.f32 v17, v13;
	v12 =	vsel vm0, $0x0, v12;
	v17 =	vadd.f32 v19, v8  }
0x10f: {  	v19 =	vld [tilespmem:s29+$0xFFFFFFE0];
	v8 =	vmul.f32 v18, v14;
	v7 =	vadd.f32 v12, v7;
	v12 =	vsel vm0, $0x0, v58  }
0x110: {  	v14 =	vperm.xlane v13, v1;
	v12 =	vadd.f32 v12, v10;
	v18 =	vperm.xlane v17, v1  }
0x111: {  	v59 =	vsel vm2, $0x0, v9;
	v9 =	vmul.f32 v57, v15;
	v10 =	vperm.xlane v7, v1  }
0x112: {  	v14 =	vsel vm1, $0x0, v14;
	v15 =	vsel vm1, $0x0, v18;
	v18 =	vperm.xlane v12, v1  }
0x113: {  	v13 =	vadd.f32 v14, v13;
	v14 =	vadd.f32 v15, v17;
	v15 =	vsel vm1, $0x0, v10  }
0x114: {  	v10 =	vmul.f32 v19, v22;
	v15 =	vadd.f32 v15, v7;
	v7 =	vsel vm1, $0x0, v18  }
0x115: {  	v60 =	vld [tilespmem:s29+$0xFFFFFFF0];
	v18 =	vperm.xlane v13, v2;
	v19 =	vperm.xlane v14, v2;
	v12 =	vadd.f32 v7, v12  }
0x116: {  	v17 =	vld [tilespmem:s11+$0xFFFFFFF0];
	v7 =	vadd.f32 v59, v11;
	v11 =	vperm.xlane v8, v0;
	v61 =	vperm.xlane v15, v2  }
0x117: {  	v18 =	vsel vm2, $0x0, v18;
	v19 =	vsel vm2, $0x0, v19;
	v62 =	vperm.xlane v12, v2  }
0x118: {  	v13 =	vadd.f32 v18, v13;
	v14 =	vadd.f32 v19, v14;
	v18 =	vsel vm2, $0x0, v61  }
0x119: {  	v19 =	vperm.xlane v9, v0;
	v18 =	vadd.f32 v18, v15;
	v15 =	vsel vm2, $0x0, v62  }
0x11a: {  	v13 =	vperm.xlane v13, v3;
	v63 =	vperm.xlane v14, v3;
	v12 =	vadd.f32 v15, v12  }
0x11b: {  	v15 =	vsel vm0, $0x0, v11;
	v11 =	vmul.f32 v60, v17;
	v18 =	vperm.xlane v18, v3  }
0x11c: {  	s30 =	simm.s32 $0x1F2B0;
	v14 =	vperm.xlane v10, v0;
	v12 =	vperm.xlane v12, v3;
	v13 =	vsel vm3, v13, v63  }
0x11d: {  	s31 =	simm.s32 $0x1F2B0;
	s9 =	simm.s32 $0x8;
	[tilespmem:s30+$0x0] =	vst v16;
	s11 =	simm.s32 $0x1A5E0;
	v17 =	vsel vm0, $0x0, v19;
	v16 =	vperm.xlane v11, v0;
	v13 =	vsel vm4, v13, v18  }
.LBB2_5:
0x11e: {  	v18 =	vld [tilespmem:s11+$0x30];
	v8 =	vadd.f32 v15, v8;
	v9 =	vadd.f32 v17, v9;
	v12 =	vsel vm5, v13, v12;
	s29 =	sadd.s32 $0x80, s29;
	s30 =	sadd.s32 $0x20, s30  }
0x11f: {  	v14 =	vsel vm0, $0x0, v14;
	v4 =	vperm.xlane v4, v3;
	v13 =	vld [tilespmem:s29+$0x30];
	v15 =	vsel vm0, $0x0, v16;
	[tilespmem:s30+$0x0] =	vst v12  }
0x120: {  	v10 =	vadd.f32 v14, v10;
	v12 =	vld [tilespmem:s11+$0x20];
	v16 =	vperm.xlane v8, v1;
	v17 =	vperm.xlane v9, v1  }
0x121: {  	v6 =	vperm.xlane v6, v3;
	v11 =	vadd.f32 v15, v11;
	v4 =	vsel vm3, v5, v4;
	v14 =	vld [tilespmem:s11+$0x0]  }
0x122: {  	v5 =	vld [tilespmem:s29+$0x0];
	v15 =	vsel vm1, $0x0, v16;
	v16 =	vsel vm1, $0x0, v17;
	v17 =	vperm.xlane v10, v1  }
0x123: {  	v19 =	vld [tilespmem:s11+$0x10];
	v8 =	vadd.f32 v15, v8;
	v9 =	vadd.f32 v16, v9;
	v15 =	vperm.xlane v11, v1  }
0x124: {  	s9 =	sadd.s32 $0x8, s9;
	v7 =	vperm.xlane v7, v3;
	v4 =	vsel vm4, v4, v6;
	v16 =	vld [tilespmem:s29+$0x10];
	v17 =	vsel vm1, $0x0, v17  }
0x125: {  	p0 =	slt.u32 s9, $0x178;
	v6 =	vld [tilespmem:s29+$0x20];
	v20 =	vperm.xlane v8, v2;
	v10 =	vadd.f32 v17, v10;
	v15 =	vsel vm1, $0x0, v15  }
0x126: {  	v4 =	vsel vm5, v4, v7;
	v21 =	vperm.xlane v9, v2;
	v17 =	vld [tilespmem:s29+$0xFFFFFFC0];
	v11 =	vadd.f32 v15, v11  }
0x127: {  	v7 =	vld [tilespmem:s11+$0xFFFFFFD0];
	v15 =	vsel vm2, $0x0, v20;
	v20 =	vperm.xlane v10, v2;
	[tilespmem:s31+$0xFFFFFFF0] =	vst v4;
	s31 =	smov.u32 s30  }
0x128: {  	v4 =	vsel vm2, $0x0, v21;
	v22 =	vld [tilespmem:s29+$0xFFFFFFD0];
	v8 =	vadd.f32 v15, v8;
	v15 =	vperm.xlane v11, v2  }
0x129: {  	v14 =	vmul.f32 v5, v14;
	v4 =	vadd.f32 v4, v9;
	v21 =	vld [tilespmem:s11+$0xFFFFFFC0];
	v16 =	vmul.f32 v16, v19  }
0x12a: {  	v5 =	vsel vm2, $0x0, v20;
	v19 =	vld [tilespmem:s11+$0xFFFFFFE0];
	v9 =	vmul.f32 v6, v12;
	v12 =	vmul.f32 v13, v18  }
0x12b: {  	v18 =	vperm.xlane v14, v0;
	v6 =	vadd.f32 v5, v10;
	v13 =	vld [tilespmem:s29+$0xFFFFFFE0];
	v20 =	vperm.xlane v16, v0  }
0x12c: {  	v5 =	vperm.xlane v8, v3;
	v15 =	vsel vm2, $0x0, v15;
	v23 =	vld [tilespmem:s11+$0xFFFFFFF0];
	v10 =	vperm.xlane v9, v0  }
0x12d: {  	v8 =	vsel vm0, $0x0, v18;
	v24 =	vld [tilespmem:s29+$0xFFFFFFF0];
	v18 =	vsel vm0, $0x0, v20;
	v20 =	vperm.xlane v12, v0  }
0x12e: {  	v14 =	vadd.f32 v8, v14;
	v16 =	vadd.f32 v18, v16;
	v10 =	vsel vm0, $0x0, v10  }
0x12f: {  	v8 =	vmul.f32 v17, v21;
	v17 =	vadd.f32 v10, v9;
	v9 =	vsel vm0, $0x0, v20  }
0x130: {  	v10 =	vperm.xlane v14, v1;
	v18 =	vperm.xlane v16, v1;
	v12 =	vadd.f32 v9, v12  }
0x131: {  	v9 =	vmul.f32 v22, v7;
	v7 =	vadd.f32 v15, v11;
	v20 =	vperm.xlane v17, v1  }
0x132: {  	v10 =	vsel vm1, $0x0, v10;
	v11 =	vsel vm1, $0x0, v18;
	v15 =	vperm.xlane v12, v1  }
0x133: {  	v14 =	vadd.f32 v10, v14;
	v11 =	vadd.f32 v11, v16;
	v16 =	vsel vm1, $0x0, v20  }
0x134: {  	v10 =	vmul.f32 v13, v19;
	v13 =	vadd.f32 v16, v17;
	v15 =	vsel vm1, $0x0, v15  }
0x135: {  	v16 =	vperm.xlane v14, v2;
	v17 =	vperm.xlane v11, v2;
	v12 =	vadd.f32 v15, v12  }
0x136: {  	v15 =	vperm.xlane v8, v0;
	v18 =	vperm.xlane v13, v2  }
0x137: {  	v16 =	vsel vm2, $0x0, v16;
	v17 =	vsel vm2, $0x0, v17;
	v19 =	vperm.xlane v12, v2  }
0x138: {  	v14 =	vadd.f32 v16, v14;
	v11 =	vadd.f32 v17, v11;
	v16 =	vsel vm2, $0x0, v18  }
.Ltmp1:
0x139: {  	v17 =	vperm.xlane v9, v0;
	v13 =	vadd.f32 v16, v13;
	v16 =	vsel vm2, $0x0, v19;
	(pc) =	sbr.rel @p0 .LBB2_5-.Ltmp1, $4  }
0x13a: {  	v18 =	vperm.xlane v14, v3;
	v19 =	vperm.xlane v11, v3;
	v12 =	vadd.f32 v16, v12  }
0x13b: {  	v15 =	vsel vm0, $0x0, v15;
	v11 =	vmul.f32 v24, v23;
	v13 =	vperm.xlane v13, v3  }
0x13c: {  	v14 =	vperm.xlane v10, v0;
	v12 =	vperm.xlane v12, v3;
	v18 =	vsel vm3, v18, v19  }
0x13d: {  	s11 =	sadd.s32 $0x80, s11;
	v17 =	vsel vm0, $0x0, v17;
	v16 =	vperm.xlane v11, v0;
	v13 =	vsel vm4, v18, v13  }
0x13e: {  	v8 =	vadd.f32 v15, v8;
	v9 =	vadd.f32 v17, v9;
	v14 =	vsel vm0, $0x0, v14  }
0x13f: {  	v48 =	vsel vm0, $0x0, v16;
	v10 =	vadd.f32 v14, v10  }
0x140: {  	v49 =	vperm.xlane v8, v1;
	v50 =	vperm.xlane v9, v1;
	v11 =	vadd.f32 v48, v11  }
0x141: {  	v51 =	vperm.xlane v10, v1  }
0x142: {  	v14 =	vsel vm1, $0x0, v49;
	v16 =	vsel vm1, $0x0, v50;
	v52 =	vperm.xlane v11, v1  }
0x143: {  	v8 =	vadd.f32 v14, v8;
	v9 =	vadd.f32 v16, v9;
	v53 =	vsel vm1, $0x0, v51  }
0x144: {  	v10 =	vadd.f32 v53, v10;
	v54 =	vsel vm1, $0x0, v52  }
0x145: {  	v55 =	vperm.xlane v8, v2;
	v16 =	vperm.xlane v9, v2;
	v11 =	vadd.f32 v54, v11  }
0x146: {  	v12 =	vsel vm5, v13, v12;
	v4 =	vperm.xlane v4, v3;
	v56 =	vperm.xlane v10, v2  }
0x147: {  	v57 =	vsel vm2, $0x0, v55;
	v58 =	vsel vm2, $0x0, v16;
	v59 =	vperm.xlane v11, v2  }
0x148: {  	v8 =	vadd.f32 v57, v8;
	v9 =	vadd.f32 v58, v9;
	v13 =	vsel vm2, $0x0, v56  }
0x149: {  	v6 =	vperm.xlane v6, v3;
	v10 =	vadd.f32 v13, v10;
	v60 =	vsel vm2, $0x0, v59  }
0x14a: {  	s23 =	sadd.s32 $0x1, s23;
	v8 =	vperm.xlane v8, v3;
	v11 =	vadd.f32 v60, v11;
	v9 =	vperm.xlane v9, v3  }
0x14b: {  	p0 =	sne.s32 s23, $0x83;
	v4 =	vsel vm3, v5, v4;
	v5 =	vperm.xlane v7, v3;
	v61 =	vperm.xlane v10, v3  }
.Ltmp2:
0x14c: {  	s9 =	sadd.s32 $0x20, s30;
	v4 =	vsel vm4, v4, v6;
	v62 =	vsel vm3, v8, v9;
	v63 =	vperm.xlane v11, v3;
	(pc) =	sbr.rel @p0 .LBB2_2-.Ltmp2, $4  }
0x14d: {  	s11 =	sadd.s32 s24, s10;
	[tilespmem:s9+$0x0] =	vst v12;
	v4 =	vsel vm5, v4, v5;
	v5 =	vsel vm4, v62, v61  }
0x14e: {  	s11 =	sshrl.u32 s11, $0x1;
	[tilespmem:s31+$0xFFFFFFF0] =	vst v4;
	v4 =	vsel vm5, v5, v63  }
0x14f: {  	s31 =	sadd.s32 s3, s11;
	[tilespmem:s9+$0xFFFFFFF0] =	vst v4  }
0x150: {  	[hbm4b:s31+s6] =	stream.linear.scatter [tilespmem:s20], [sflag:$0x8], $0x600, $0x38;
	[tilespmem:$0x1F8A0] =	vst v63  }
0x151: {  	s9 =	simm.s32 $0x7  }
0x152: {  	_ =	swait.ge [sflag:s9], $0x600  }
0x153: {  	[sflag:s9] =	ssyncset.done $0x0  }
0x154: {  	[sflag:s9] =	ssyncadd.s32 $0xFFFFFA00  }
0x155: {  	_ =	swait.ge [sflag:s25], $0x600  }
0x156: {  	s11 =	rddreg [dreg:$0xe]  }
0x157: {  	s31 =	rddreg [dreg:$0xc];
	s11 =	sadd.s32 $0x1, s11  }
0x158: {  	p0 =	sne.s32 s11, s31  }
.Ltmp3:
0x159: {  	_ = 	snop;
	(pc) =	sbr.rel @p0 .LBB2_1-.Ltmp3, $3  }
0x15a: {  	_ =	sdelay $0x1  }
0x15b: {  	[sflag:s25] =	ssyncset.done $0x0  }
0x15c: {  	[sflag:s25] =	ssyncadd.s32 $0xFFFFFA00  }
0x15d: {  	_ =	sfence.sel $0x180000  }
0x15e: {  	[bflag:$0x0] =	sbarrier.arrive $0xFFFF  }
0x15f: {  	_ =	strace $0x90000047  }
0x160: {  	s0 =	stileid.u32;
	[bflag:$0x2] =	sbarrier.arrive $0xFFFF  }
0x161: {  	p0 =	sne.s32 s0, $0x0;
	s0 =	rddreg [dreg:$0x5]  }
0x162: {  	s0 =	sadd.s32 @!p0 $0x100000, s0  }
0x163: {  	[sflag:s0] =	ssyncadd.tile.s32 @!p0 $0x1;
	_ =	shalt  }
.Lfunc_end2:
_tile_overlayer_lowered:
.L_overlay_start_2:
0x164: {  	(tag) =	ssettag $0x2  }
0x165: {  	s0 =	rddreg [dreg:$0x0];
	s2 =	stileid.u32  }
0x166: {  	s1 =	rddreg [dreg:$0x1];
	p0 =	sne.s32 s2, $0x0  }
0x167: {  	s3 =	rddreg [dreg:$0x2];
	[bflag:$0x3] =	sbarrier.arrive $0xFFFF;
	s2 =	simm.s32 @!p0 $0x1C09  }
0x168: {  	[timem:s3], [sflag:s2] =	dma.local @!p0 [hbm:s0], s1  }
0x169: {  	s0 =	simm.s32 @!p0 $0x9  }
0x16a: {  	_ =	swait.ge @!p0 [sflag:s0], s1  }
0x16b: {  	s1 =	ssub.s32 @!p0 $0x0, s1;
	[sflag:s0] =	ssyncset.done @!p0 $0x0  }
0x16c: {  	[sflag:s0] =	ssyncadd.s32 @!p0 s1  }
0x16d: {  	[bflag:$0x3] =	sbarrier.arrive $0xFFFF  }
0x16e: {  	_ =	shalt  }

</sc_bundles>
